<compile_context>
chip_gen: v7x
topology: tpu7x:2x2x1
jax: 0.10.2.dev20260603
libtpu: 0.0.44.dev20260713+nightly
codegen_flags: <defaults>
</compile_context>

<pallas_src>
import functools

import jax
import jax.numpy as jnp
import numpy as np
from jax import lax
from jax.experimental import pallas as pl
from jax.experimental.pallas import tpu as pltpu
from jax.experimental.pallas import tpu_sc as plsc

EMBED = 256
HEADS = 8
QUEUE = 2
POINTS = 4
H0 = 150
W0 = 150
NQ = H0 * W0
HEAD_DIM = EMBED // HEADS
NQP = 22528
NTAP = QUEUE * HEADS * POINTS * 4
K64 = QUEUE * HEADS * POINTS

def _perm_so(xy):
    rows = []
    for p in range(POINTS):
        for q in range(QUEUE):
            for h in range(HEADS):
                rows.append(((h * QUEUE + q) * POINTS + p) * 2 + xy)
    return np.array(rows, dtype=np.int32)

def _perm_aw():
    rows = []
    for p in range(POINTS):
        for q in range(QUEUE):
            for h in range(HEADS):
                rows.append((h * QUEUE + q) * POINTS + p)
    return np.array(rows, dtype=np.int32)

_PX = _perm_so(0)
_PY = _perm_so(1)
_PA = _perm_aw()
_NQH = QUEUE * HEADS
_M4 = np.zeros((K64, K64), np.float32)
_R1 = np.zeros((K64, K64), np.float32)
_R2 = np.zeros((K64, K64), np.float32)
for _i in range(K64):
    for _j in range(K64):
        if _i % _NQH == _j % _NQH:
            _M4[_i, _j] = 1.0
    _R1[_i, _i ^ 16] = 1.0
    _R2[_i, _i ^ 32] = 1.0
_QB = (np.arange(K64, dtype=np.float32) % _NQH) * NQP
_REP = np.zeros((_NQH, _NQH * HEAD_DIM), np.float32)
for _i in range(_NQH):
    _REP[_i, _i * HEAD_DIM:(_i + 1) * HEAD_DIM] = 1.0
_P256 = np.zeros((NTAP, NTAP), np.float32)
for _c in range(4):
    for _p in range(POINTS):
        for _q in range(_NQH):
            _P256[_c * 64 + _p * 16 + _q, (_p * 4 + _c) * 16 + _q] = 1.0


def _a1_body(x_ref, wt_ref, b_ref, out_ref):
    x = x_ref[0]
    out_ref[0] = jnp.dot(x, wt_ref[0], preferred_element_type=jnp.float32) + b_ref[0]


def _a1(value_p, W_v, b_v, tq=512):
    nt = NQP // tq
    wvt = W_v.T.reshape(1, EMBED, HEADS, HEAD_DIM)
    wvt = jnp.transpose(wvt, (2, 0, 1, 3)).reshape(HEADS, EMBED, HEAD_DIM)
    bv = b_v.reshape(HEADS, 1, HEAD_DIM)
    return pl.pallas_call(
        _a1_body,
        grid=(QUEUE, nt, HEADS),
        in_specs=[
            pl.BlockSpec((1, tq, EMBED), lambda q, t, h: (q, t, 0)),
            pl.BlockSpec((1, EMBED, HEAD_DIM), lambda q, t, h: (h, 0, 0)),
            pl.BlockSpec((1, 1, HEAD_DIM), lambda q, t, h: (h, 0, 0)),
        ],
        out_specs=pl.BlockSpec((1, tq, HEAD_DIM), lambda q, t, h: (q * HEADS + h, t, 0)),
        out_shape=jax.ShapeDtypeStruct((QUEUE * HEADS, NQP, HEAD_DIM), jnp.float32),
    )(value_p, wvt.reshape(HEADS, EMBED, HEAD_DIM), bv)


def _a2_body(qc_ref, wx_ref, bx_ref, ref_ref, m4_ref, r1_ref, r2_ref,
             qb_ref, p256_ref, idx_ref, w_ref):
    qc = qc_ref[...]
    xya = jnp.dot(qc, wx_ref[...], preferred_element_type=jnp.float32) + bx_ref[...]
    x64 = xya[:, :K64]
    y64 = xya[:, K64:2 * K64]
    a64 = xya[:, 2 * K64:]
    del p256_ref
    m = jnp.maximum(a64, jnp.dot(a64, r1_ref[...], preferred_element_type=jnp.float32))
    m = jnp.maximum(m, jnp.dot(m, r2_ref[...], preferred_element_type=jnp.float32))
    e = jnp.exp(a64 - m)
    s = jnp.dot(e, m4_ref[...], preferred_element_type=jnp.float32)
    aw = e / s

    rx = ref_ref[:, 0:1]
    ry = ref_ref[:, 1:2]
    x = rx * W0 + x64 - 0.5
    y = ry * H0 + y64 - 0.5
    x0 = jnp.floor(x)
    y0 = jnp.floor(y)
    fx = x - x0
    fy = y - y0
    x1 = x0 + 1.0
    y1 = y0 + 1.0

    def corner(cx, cy, wgt):
        valid = ((cx >= 0.0) & (cx <= W0 - 1.0) & (cy >= 0.0) & (cy <= H0 - 1.0))
        cxc = jnp.clip(cx, 0.0, W0 - 1.0)
        cyc = jnp.clip(cy, 0.0, H0 - 1.0)
        flat = cyc * W0 + cxc + qb_ref[...]
        wv = wgt * aw * valid.astype(jnp.float32)
        return flat, wv

    fs, ws = zip(corner(x0, y0, (1.0 - fx) * (1.0 - fy)),
                 corner(x0, y1, (1.0 - fx) * fy),
                 corner(x1, y0, fx * (1.0 - fy)),
                 corner(x1, y1, fx * fy))
    idx_f = jnp.concatenate(
        [fs[c][:, p * 16:(p + 1) * 16] for p in range(POINTS) for c in range(4)], axis=1)
    w_f = jnp.concatenate(
        [ws[c][:, p * 16:(p + 1) * 16] for p in range(POINTS) for c in range(4)], axis=1)
    idx_ref[...] = idx_f.astype(jnp.int32)
    w_ref[...] = w_f


def _a2(qc, wxya, bxya, refp, tq=512):
    nt = NQP // tq
    full = lambda shape: pl.BlockSpec(shape, lambda t: tuple(0 for _ in shape))
    return pl.pallas_call(
        _a2_body,
        grid=(nt,),
        in_specs=[
            pl.BlockSpec((tq, QUEUE * EMBED), lambda t: (t, 0)),
            full((QUEUE * EMBED, 3 * K64)), full((1, 3 * K64)),
            pl.BlockSpec((tq, 2), lambda t: (t, 0)),
            full((K64, K64)), full((K64, K64)), full((K64, K64)), full((1, K64)),
            full((NTAP, NTAP)),
        ],
        out_specs=[
            pl.BlockSpec((tq, NTAP), lambda t: (t, 0)),
            pl.BlockSpec((tq, NTAP), lambda t: (t, 0)),
        ],
        out_shape=[
            jax.ShapeDtypeStruct((NQP, NTAP), jnp.int32),
            jax.ShapeDtypeStruct((NQP, NTAP), jnp.float32),
        ],
    )(qc, wxya, bxya, refp, jnp.asarray(_M4), jnp.asarray(_R1), jnp.asarray(_R2),
      jnp.asarray(_QB).reshape(1, K64), jnp.asarray(_P256))


def _sc_gather(table, idx):
    B = idx.shape[0]
    info = plsc.get_sparse_core_info()
    nw = info.num_cores * info.num_subcores
    bw = B // nw
    chunk = 1024
    while bw % (2 * chunk):
        chunk //= 2
    npair = bw // (2 * chunk)
    mesh = plsc.VectorSubcoreMesh(core_axis_name="c", subcore_axis_name="s")

    @functools.partial(
        pl.kernel, mesh=mesh,
        compiler_params=pltpu.CompilerParams(use_tc_tiling_on_sc=False),
        out_type=jax.ShapeDtypeStruct((B, HEAD_DIM), jnp.float32),
        scratch_types=[
            pltpu.VMEM((chunk,), jnp.int32),
            pltpu.VMEM((chunk,), jnp.int32),
            pltpu.VMEM((chunk, HEAD_DIM), jnp.float32),
            pltpu.VMEM((chunk, HEAD_DIM), jnp.float32),
            pltpu.SemaphoreType.DMA,
            pltpu.SemaphoreType.DMA,
            pltpu.SemaphoreType.DMA,
        ],
    )
    def k(table_hbm, idx_hbm, out_hbm, idx0, idx1, rows0, rows1, semi, semg, semw):
        wid = lax.axis_index("s") * info.num_cores + lax.axis_index("c")
        base0 = wid * bw
        last = base0 + bw - chunk
        pltpu.sync_copy(idx_hbm.at[pl.ds(base0, chunk)], idx0)

        def body(jj, carry):
            b0 = base0 + jj * (2 * chunk)
            b1 = b0 + chunk
            ci1 = pltpu.async_copy(idx_hbm.at[pl.ds(b1, chunk)], idx1, semi)
            pltpu.async_copy(table_hbm.at[idx0], rows0, semg).wait()
            cw0 = pltpu.async_copy(rows0, out_hbm.at[pl.ds(b0, chunk)], semw)
            ci1.wait()
            nb = jnp.minimum(b0 + 2 * chunk, last)
            ci0 = pltpu.async_copy(idx_hbm.at[pl.ds(nb, chunk)], idx0, semi)
            pltpu.async_copy(table_hbm.at[idx1], rows1, semg).wait()
            pltpu.sync_copy(rows1, out_hbm.at[pl.ds(b1, chunk)])
            cw0.wait()
            ci0.wait()
            return carry

        lax.fori_loop(0, npair, body, 0)

    return k(table, idx)


def _c_body(g_ref, w_ref, q_ref, wo_ref, bo_ref, rep_ref, out_ref):
    g = g_ref[...]
    w = w_ref[...]
    rep = rep_ref[...]
    slab = _NQH * HEAD_DIM
    o = None
    for s in range(POINTS * 4):
        wexp = jnp.dot(w[:, s * _NQH:(s + 1) * _NQH], rep,
                       preferred_element_type=jnp.float32)
        term = g[:, s * slab:(s + 1) * slab] * wexp
        o = term if o is None else o + term
    mean = 0.5 * (o[:, :EMBED] + o[:, EMBED:])
    out_ref[...] = (jnp.dot(mean, wo_ref[...], preferred_element_type=jnp.float32)
                    + bo_ref[...] + q_ref[...])


def _c(g2d, w2d, query_p, W_o, b_o, tq=128):
    nt = NQP // tq
    return pl.pallas_call(
        _c_body,
        grid=(nt,),
        in_specs=[
            pl.BlockSpec((tq, NTAP * HEAD_DIM), lambda t: (t, 0)),
            pl.BlockSpec((tq, NTAP), lambda t: (t, 0)),
            pl.BlockSpec((tq, EMBED), lambda t: (t, 0)),
            pl.BlockSpec((EMBED, EMBED), lambda t: (0, 0)),
            pl.BlockSpec((1, EMBED), lambda t: (0, 0)),
            pl.BlockSpec((_NQH, _NQH * HEAD_DIM), lambda t: (0, 0)),
        ],
        out_specs=pl.BlockSpec((tq, EMBED), lambda t: (t, 0)),
        out_shape=jax.ShapeDtypeStruct((NQP, EMBED), jnp.float32),
    )(g2d, w2d, query_p, W_o.T, b_o.reshape(1, EMBED), jnp.asarray(_REP))


def kernel(query, value, reference_points, spatial_shapes, W_so, b_so, W_aw, b_aw, W_v, b_v, W_o, b_o):
    pad = NQP - NQ
    value2 = value.reshape(QUEUE, NQ, EMBED)
    value_p = jnp.pad(value2, ((0, 0), (0, pad), (0, 0)))
    query_p = jnp.pad(query[0], ((0, pad), (0, 0)))
    refp = jnp.pad(reference_points.reshape(NQ, 2), ((0, pad), (0, 0)))
    qc = jnp.concatenate([value_p[0], query_p], axis=-1)

    table = _a1(value_p, W_v, b_v)
    wxya = jnp.concatenate([W_so[jnp.asarray(_PX)], W_so[jnp.asarray(_PY)],
                            W_aw[jnp.asarray(_PA)]], axis=0).T
    bxya = jnp.concatenate([b_so[jnp.asarray(_PX)], b_so[jnp.asarray(_PY)],
                            b_aw[jnp.asarray(_PA)]]).reshape(1, 3 * K64)
    idx, w = _a2(qc, wxya, bxya, refp)

    g = _sc_gather(table.reshape(QUEUE * HEADS * NQP, HEAD_DIM),
                   idx.reshape(NQP * NTAP))
    out_p = _c(g.reshape(NQP, NTAP * HEAD_DIM), w, query_p, W_o, b_o)
    return out_p[None, :NQ, :]

# --- scband reference (transcript-rebuilt; emitter-appended) ---
"""Pipeline reference for scband-temporal-self-attention-py-torch-41747082117463 (READ-ONLY COPY).

The authoritative reference and input builder live on the scoring server;
editing this copy changes nothing except your own understanding.
"""

import jax, jax.numpy as jnp
import numpy as np

EMBED = 256
HEADS = 8
LEVELS = 1
POINTS = 4
QUEUE = 2
BS = 1
H0 = 150
W0 = 150
NQ = H0 * W0
NV = H0 * W0
HEAD_DIM = EMBED // HEADS


def _grid_sample_bilinear(im, grid):
    # im: (N, C, H, W); grid: (N, Hg, Wg, 2) in [-1, 1]; bilinear, zero padding, align_corners=False
    N, C, H, W = im.shape
    x = ((grid[..., 0] + 1.0) * W - 1.0) / 2.0
    y = ((grid[..., 1] + 1.0) * H - 1.0) / 2.0
    x0 = jnp.floor(x)
    y0 = jnp.floor(y)
    x1 = x0 + 1.0
    y1 = y0 + 1.0
    wa = (x1 - x) * (y1 - y)
    wb = (x1 - x) * (y - y0)
    wc = (x - x0) * (y1 - y)
    wd = (x - x0) * (y - y0)
    imf = im.reshape(N, C, H * W)

    def gather(ix, iy):
        valid = (ix >= 0) & (ix <= W - 1) & (iy >= 0) & (iy <= H - 1)
        ixc = jnp.clip(ix, 0, W - 1).astype(jnp.int32)
        iyc = jnp.clip(iy, 0, H - 1).astype(jnp.int32)
        flat = (iyc * W + ixc).reshape(N, -1)
        idx = jnp.broadcast_to(flat[:, None, :], (N, C, flat.shape[-1]))
        g = jnp.take_along_axis(imf, idx, axis=2).reshape(N, C, ix.shape[1], ix.shape[2])
        return g * valid[:, None, :, :].astype(im.dtype)

    out = (gather(x0, y0) * wa[:, None]
           + gather(x0, y1) * wb[:, None]
           + gather(x1, y0) * wc[:, None]
           + gather(x1, y1) * wd[:, None])
    return out


def _msda(value, shapes, sampling_locations, attention_weights):
    bs, _, num_heads, head_dim = value.shape
    _, num_queries, _, num_levels, num_points, _ = sampling_locations.shape
    sizes = [h * w for h, w in shapes]
    splits = np.cumsum(sizes)[:-1].tolist()
    value_list = jnp.split(value, splits, axis=1) if splits else [value]
    sampling_grids = 2.0 * sampling_locations - 1.0
    sampled = []
    for lvl, (H_, W_) in enumerate(shapes):
        v = value_list[lvl].reshape(bs, H_ * W_, num_heads * head_dim).transpose(0, 2, 1).reshape(bs * num_heads, head_dim, H_, W_)
        g = sampling_grids[:, :, :, lvl].transpose(0, 2, 1, 3, 4).reshape(bs * num_heads, num_queries, num_points, 2)
        sampled.append(_grid_sample_bilinear(v, g))
    attn = attention_weights.transpose(0, 2, 1, 3, 4).reshape(bs * num_heads, 1, num_queries, num_levels * num_points)
    stacked = jnp.stack(sampled, axis=-2).reshape(bs * num_heads, head_dim, num_queries, num_levels * num_points)
    out = (stacked * attn).sum(-1).reshape(bs, num_heads * head_dim, num_queries)
    return out.transpose(0, 2, 1)


def _forward(query, value, reference_points, shapes, spatial_shapes, W_so, b_so, W_aw, b_aw, W_v, b_v, W_o, b_o):
    bs, num_query, _ = query.shape
    value_reshaped = value.reshape(value.shape[0], value.shape[1], -1)
    num_value = value_reshaped.shape[1]
    value_current = value_reshaped[:bs]
    query_concat = jnp.concatenate([value_current, query], axis=-1)
    v = (value_reshaped @ W_v.T + b_v).reshape(bs * QUEUE, num_value, HEADS, HEAD_DIM)
    so = (query_concat @ W_so.T + b_so).reshape(bs, num_query, HEADS, QUEUE, LEVELS, POINTS, 2)
    aw = (query_concat @ W_aw.T + b_aw).reshape(bs, num_query, HEADS, QUEUE, LEVELS * POINTS)
    aw = jax.nn.softmax(aw, axis=-1).reshape(bs, num_query, HEADS, QUEUE, LEVELS, POINTS)
    aw = aw.transpose(0, 3, 1, 2, 4, 5).reshape(bs * QUEUE, num_query, HEADS, LEVELS, POINTS)
    so = so.transpose(0, 3, 1, 2, 4, 5, 6).reshape(bs * QUEUE, num_query, HEADS, LEVELS, POINTS, 2)
    offset_normalizer = spatial_shapes[:, ::-1].astype(jnp.float32)[None, None, None, :, None, :]
    ref = jnp.repeat(reference_points[:, None], QUEUE, axis=1).reshape(bs * QUEUE, num_query, LEVELS, 2)
    sampling_locations = ref[:, :, None, :, None, :] + so / offset_normalizer
    out = _msda(v, shapes, sampling_locations, aw)
    out = out.transpose(1, 2, 0).reshape(num_query, EMBED, bs, QUEUE).mean(-1)
    out = jnp.transpose(out, (2, 0, 1))
    out = out @ W_o.T + b_o
    return out + query


def setup_inputs(seed: int = 0) -> dict:
    key = jax.random.key(seed)
    ks = jax.random.split(key, 12)
    query = jax.random.normal(ks[0], (BS, NQ, EMBED), dtype=jnp.float32)
    value = jax.random.normal(ks[1], (BS * QUEUE, NV, HEADS, HEAD_DIM), dtype=jnp.float32)
    reference_points = jax.random.uniform(ks[2], (BS, NQ, LEVELS, 2), dtype=jnp.float32)
    spatial_shapes = jnp.array([[H0, W0]], dtype=jnp.int32)
    d_off = QUEUE * HEADS * LEVELS * POINTS * 2
    d_aw = QUEUE * HEADS * LEVELS * POINTS
    W_so = jax.random.normal(ks[3], (d_off, EMBED * QUEUE), dtype=jnp.float32) * 0.01
    b_so = jax.random.normal(ks[4], (d_off,), dtype=jnp.float32) * 0.01
    W_aw = jax.random.normal(ks[5], (d_aw, EMBED * QUEUE), dtype=jnp.float32) * 0.01
    b_aw = jnp.zeros((d_aw,), dtype=jnp.float32)
    W_v = jax.random.normal(ks[6], (EMBED, EMBED), dtype=jnp.float32) * (1.0 / np.sqrt(EMBED))
    b_v = jnp.zeros((EMBED,), dtype=jnp.float32)
    W_o = jax.random.normal(ks[7], (EMBED, EMBED), dtype=jnp.float32) * (1.0 / np.sqrt(EMBED))
    b_o = jnp.zeros((EMBED,), dtype=jnp.float32)
    return {"query": query, "value": value, "reference_points": reference_points, "spatial_shapes": spatial_shapes, "W_so": W_so, "b_so": b_so, "W_aw": W_aw, "b_aw": b_aw, "W_v": W_v, "b_v": b_v, "W_o": W_o, "b_o": b_o}


def reference(query, value, reference_points, spatial_shapes, W_so, b_so, W_aw, b_aw, W_v, b_v, W_o, b_o):
    shapes = [(H0, W0) for _ in range(spatial_shapes.shape[0])]
    return _forward(query, value, reference_points, shapes, spatial_shapes, W_so, b_so, W_aw, b_aw, W_v, b_v, W_o, b_o)

if __name__ == "__main__":
    import jax
    _d = setup_inputs()
    print(jax.jit(kernel)(*tuple(_d.values())))

</pallas_src>

<mosaic_0001>
#map = affine_map<(d0, d1) -> (0, 0)>
#map1 = affine_map<(d0, d1) -> (0)>
module attributes {stable_mosaic.version = 14 : i64} {
  func.func @k(%arg0: i32, %arg1: i32, %arg2: memref<360448x32xf32, #tpu.memory_space<hbm>>, %arg3: memref<5767168xi32, #tpu.memory_space<hbm>>, %arg4: memref<5767168x32xf32, #tpu.memory_space<hbm>>, %arg5: memref<1024xi32, #tpu.memory_space<vmem>>, %arg6: memref<1024xi32, #tpu.memory_space<vmem>>, %arg7: memref<1024x32xf32, #tpu.memory_space<vmem>>, %arg8: memref<1024x32xf32, #tpu.memory_space<vmem>>, %arg9: memref<!tpu.dma_semaphore, #tpu.memory_space<semaphore_mem>>, %arg10: memref<!tpu.dma_semaphore, #tpu.memory_space<semaphore_mem>>, %arg11: memref<!tpu.dma_semaphore, #tpu.memory_space<semaphore_mem>>) attributes {dimension_semantics = [#tpu.dimension_semantics<core_parallel>, #tpu.dimension_semantics<subcore_parallel>], iteration_bounds = array<i64: 2, 16>, scalar_prefetch = 0 : i64, scratch_operands = 7 : i64, tpu.core_type = #tpu.core_type<sc_vector_subcore>, window_params = [{transform_indices = #map}, {transform_indices = #map1}, {transform_indices = #map}]} {
    %mul3A = arith.constant 2 : i32
    %mul3A_0 = arith.muli %arg1, %mul3A : i32
    %add3A = arith.addi %mul3A_0, %arg0 : i32
    %mul3A_1 = arith.constant 180224 : i32
    %mul3A_2 = arith.muli %add3A, %mul3A_1 : i32
    %add3A_3 = arith.constant 180224 : i32
    %add3A_4 = arith.addi %mul3A_2, %add3A_3 : i32
    %sub3A = arith.constant 1024 : i32
    %sub3A_5 = arith.subi %add3A_4, %sub3A : i32
    "tpu.region"() ({
      %run_scoped3A = tpu.sem_alloc : memref<!tpu.dma_semaphore, #tpu.memory_space<semaphore_mem>>
      %dma_start3A = tpu.memref_slice %arg3[%mul3A_2] : memref<5767168xi32, #tpu.memory_space<hbm>> -> memref<1024xi32, #tpu.memory_space<hbm>>
      %dma_start3A_11 = tpu.memref_slice %arg3[%mul3A_2] : memref<5767168xi32, #tpu.memory_space<hbm>> -> memref<1024xi32, #tpu.memory_space<hbm>>
      tpu.enqueue_dma source(%dma_start3A_11 : memref<1024xi32, #tpu.memory_space<hbm>>) target(%arg5 : memref<1024xi32, #tpu.memory_space<vmem>>) target_semaphore(%run_scoped3A : memref<!tpu.dma_semaphore, #tpu.memory_space<semaphore_mem>>)
      %dma_wait3A = tpu.memref_slice %arg3[%mul3A_2] : memref<5767168xi32, #tpu.memory_space<hbm>> -> memref<1024xi32, #tpu.memory_space<hbm>>
      %dma_wait3A_12 = tpu.memref_slice %arg3[%mul3A_2] : memref<5767168xi32, #tpu.memory_space<hbm>> -> memref<1024xi32, #tpu.memory_space<hbm>>
      tpu.wait_dma2 semaphore(%run_scoped3A : memref<!tpu.dma_semaphore, #tpu.memory_space<semaphore_mem>>) src(%dma_wait3A_12 : memref<1024xi32, #tpu.memory_space<hbm>>) dst(%arg5 : memref<1024xi32, #tpu.memory_space<vmem>>)
      tpu.yield
    }) : () -> ()
    %scan3A = arith.constant 0 : i32
    %scan3A_6 = arith.constant 0 : i32
    %scan3A_7 = arith.constant 88 : i32
    %scan3A_8 = arith.addi %scan3A_6, %scan3A_7 : i32
    %scan3A_9 = arith.constant 1 : i32
    scf.for %scan3A_11 = %scan3A_6 to %scan3A_8 step %scan3A_9  : i32 {
      %mul3A_12 = arith.constant 2048 : i32
      %mul3A_13 = arith.muli %scan3A_11, %mul3A_12 : i32
      %add3A_14 = arith.addi %mul3A_2, %mul3A_13 : i32
      %add3A_15 = arith.constant 1024 : i32
      %add3A_16 = arith.addi %add3A_14, %add3A_15 : i32
      %dma_start3A = tpu.memref_slice %arg3[%add3A_16] : memref<5767168xi32, #tpu.memory_space<hbm>> -> memref<1024xi32, #tpu.memory_space<hbm>>
      %dma_start3A_17 = tpu.memref_slice %arg3[%add3A_16] : memref<5767168xi32, #tpu.memory_space<hbm>> -> memref<1024xi32, #tpu.memory_space<hbm>>
      tpu.enqueue_dma source(%dma_start3A_17 : memref<1024xi32, #tpu.memory_space<hbm>>) target(%arg6 : memref<1024xi32, #tpu.memory_space<vmem>>) target_semaphore(%arg9 : memref<!tpu.dma_semaphore, #tpu.memory_space<semaphore_mem>>)
      %dma_start3A_18 = arith.constant 0 : i32
      %dma_start3A_19 = arith.constant 0 : i32
      %dma_start3A_20 = tpu.memref_slice %arg2[%dma_start3A_18, %dma_start3A_19] : memref<360448x32xf32, #tpu.memory_space<hbm>> -> memref<360448x32xf32, #tpu.memory_space<hbm>>
      tpu.enqueue_indirect_dma source(%dma_start3A_20 : memref<360448x32xf32, #tpu.memory_space<hbm>>) target(%arg7 : memref<1024x32xf32, #tpu.memory_space<vmem>>) offsets(%arg5 : memref<1024xi32, #tpu.memory_space<vmem>>) semaphore(%arg10 : memref<!tpu.dma_semaphore, #tpu.memory_space<semaphore_mem>>)
      %dma_wait3A = arith.constant 0 : i32
      %dma_wait3A_21 = arith.constant 0 : i32
      %dma_wait3A_22 = tpu.memref_slice %arg2[%dma_wait3A, %dma_wait3A_21] : memref<360448x32xf32, #tpu.memory_space<hbm>> -> memref<360448x32xf32, #tpu.memory_space<hbm>>
      tpu.wait_indirect_dma semaphore(%arg10 : memref<!tpu.dma_semaphore, #tpu.memory_space<semaphore_mem>>) src(%dma_wait3A_22 : memref<360448x32xf32, #tpu.memory_space<hbm>>) dst(%arg7 : memref<1024x32xf32, #tpu.memory_space<vmem>>)
      %dma_start3A_23 = arith.constant 0 : i32
      %dma_start3A_24 = tpu.memref_slice %arg4[%add3A_14, %dma_start3A_23] : memref<5767168x32xf32, #tpu.memory_space<hbm>> -> memref<1024x32xf32, #tpu.memory_space<hbm>>
      %dma_start3A_25 = arith.constant 0 : i32
      %dma_start3A_26 = tpu.memref_slice %arg4[%add3A_14, %dma_start3A_25] : memref<5767168x32xf32, #tpu.memory_space<hbm>> -> memref<1024x32xf32, #tpu.memory_space<hbm>>
      tpu.enqueue_dma source(%arg7 : memref<1024x32xf32, #tpu.memory_space<vmem>>) target(%dma_start3A_26 : memref<1024x32xf32, #tpu.memory_space<hbm>>) target_semaphore(%arg11 : memref<!tpu.dma_semaphore, #tpu.memory_space<semaphore_mem>>)
      %dma_wait3A_27 = tpu.memref_slice %arg3[%add3A_16] : memref<5767168xi32, #tpu.memory_space<hbm>> -> memref<1024xi32, #tpu.memory_space<hbm>>
      %dma_wait3A_28 = tpu.memref_slice %arg3[%add3A_16] : memref<5767168xi32, #tpu.memory_space<hbm>> -> memref<1024xi32, #tpu.memory_space<hbm>>
      tpu.wait_dma2 semaphore(%arg9 : memref<!tpu.dma_semaphore, #tpu.memory_space<semaphore_mem>>) src(%dma_wait3A_28 : memref<1024xi32, #tpu.memory_space<hbm>>) dst(%arg6 : memref<1024xi32, #tpu.memory_space<vmem>>)
      %add3A_29 = arith.constant 2048 : i32
      %add3A_30 = arith.addi %add3A_14, %add3A_29 : i32
      %min3A = arith.minsi %add3A_30, %sub3A_5 : i32
      %dma_start3A_31 = tpu.memref_slice %arg3[%min3A] : memref<5767168xi32, #tpu.memory_space<hbm>> -> memref<1024xi32, #tpu.memory_space<hbm>>
      %dma_start3A_32 = tpu.memref_slice %arg3[%min3A] : memref<5767168xi32, #tpu.memory_space<hbm>> -> memref<1024xi32, #tpu.memory_space<hbm>>
      tpu.enqueue_dma source(%dma_start3A_32 : memref<1024xi32, #tpu.memory_space<hbm>>) target(%arg5 : memref<1024xi32, #tpu.memory_space<vmem>>) target_semaphore(%arg9 : memref<!tpu.dma_semaphore, #tpu.memory_space<semaphore_mem>>)
      %dma_start3A_33 = arith.constant 0 : i32
      %dma_start3A_34 = arith.constant 0 : i32
      %dma_start3A_35 = tpu.memref_slice %arg2[%dma_start3A_33, %dma_start3A_34] : memref<360448x32xf32, #tpu.memory_space<hbm>> -> memref<360448x32xf32, #tpu.memory_space<hbm>>
      tpu.enqueue_indirect_dma source(%dma_start3A_35 : memref<360448x32xf32, #tpu.memory_space<hbm>>) target(%arg8 : memref<1024x32xf32, #tpu.memory_space<vmem>>) offsets(%arg6 : memref<1024xi32, #tpu.memory_space<vmem>>) semaphore(%arg10 : memref<!tpu.dma_semaphore, #tpu.memory_space<semaphore_mem>>)
      %dma_wait3A_36 = arith.constant 0 : i32
      %dma_wait3A_37 = arith.constant 0 : i32
      %dma_wait3A_38 = tpu.memref_slice %arg2[%dma_wait3A_36, %dma_wait3A_37] : memref<360448x32xf32, #tpu.memory_space<hbm>> -> memref<360448x32xf32, #tpu.memory_space<hbm>>
      tpu.wait_indirect_dma semaphore(%arg10 : memref<!tpu.dma_semaphore, #tpu.memory_space<semaphore_mem>>) src(%dma_wait3A_38 : memref<360448x32xf32, #tpu.memory_space<hbm>>) dst(%arg8 : memref<1024x32xf32, #tpu.memory_space<vmem>>)
      "tpu.region"() ({
        %run_scoped3A = tpu.sem_alloc : memref<!tpu.dma_semaphore, #tpu.memory_space<semaphore_mem>>
        %dma_start3A_45 = arith.constant 0 : i32
        %dma_start3A_46 = tpu.memref_slice %arg4[%add3A_16, %dma_start3A_45] : memref<5767168x32xf32, #tpu.memory_space<hbm>> -> memref<1024x32xf32, #tpu.memory_space<hbm>>
        %dma_start3A_47 = arith.constant 0 : i32
        %dma_start3A_48 = tpu.memref_slice %arg4[%add3A_16, %dma_start3A_47] : memref<5767168x32xf32, #tpu.memory_space<hbm>> -> memref<1024x32xf32, #tpu.memory_space<hbm>>
        tpu.enqueue_dma source(%arg8 : memref<1024x32xf32, #tpu.memory_space<vmem>>) target(%dma_start3A_48 : memref<1024x32xf32, #tpu.memory_space<hbm>>) target_semaphore(%run_scoped3A : memref<!tpu.dma_semaphore, #tpu.memory_space<semaphore_mem>>)
        %dma_wait3A_49 = arith.constant 0 : i32
        %dma_wait3A_50 = tpu.memref_slice %arg4[%add3A_16, %dma_wait3A_49] : memref<5767168x32xf32, #tpu.memory_space<hbm>> -> memref<1024x32xf32, #tpu.memory_space<hbm>>
        %dma_wait3A_51 = arith.constant 0 : i32
        %dma_wait3A_52 = tpu.memref_slice %arg4[%add3A_16, %dma_wait3A_51] : memref<5767168x32xf32, #tpu.memory_space<hbm>> -> memref<1024x32xf32, #tpu.memory_space<hbm>>
        tpu.wait_dma2 semaphore(%run_scoped3A : memref<!tpu.dma_semaphore, #tpu.memory_space<semaphore_mem>>) src(%arg8 : memref<1024x32xf32, #tpu.memory_space<vmem>>) dst(%dma_wait3A_52 : memref<1024x32xf32, #tpu.memory_space<hbm>>)
        tpu.yield
      }) : () -> ()
      %dma_wait3A_39 = arith.constant 0 : i32
      %dma_wait3A_40 = tpu.memref_slice %arg4[%add3A_14, %dma_wait3A_39] : memref<5767168x32xf32, #tpu.memory_space<hbm>> -> memref<1024x32xf32, #tpu.memory_space<hbm>>
      %dma_wait3A_41 = arith.constant 0 : i32
      %dma_wait3A_42 = tpu.memref_slice %arg4[%add3A_14, %dma_wait3A_41] : memref<5767168x32xf32, #tpu.memory_space<hbm>> -> memref<1024x32xf32, #tpu.memory_space<hbm>>
      tpu.wait_dma2 semaphore(%arg11 : memref<!tpu.dma_semaphore, #tpu.memory_space<semaphore_mem>>) src(%arg7 : memref<1024x32xf32, #tpu.memory_space<vmem>>) dst(%dma_wait3A_42 : memref<1024x32xf32, #tpu.memory_space<hbm>>)
      %dma_wait3A_43 = tpu.memref_slice %arg3[%min3A] : memref<5767168xi32, #tpu.memory_space<hbm>> -> memref<1024xi32, #tpu.memory_space<hbm>>
      %dma_wait3A_44 = tpu.memref_slice %arg3[%min3A] : memref<5767168xi32, #tpu.memory_space<hbm>> -> memref<1024xi32, #tpu.memory_space<hbm>>
      tpu.wait_dma2 semaphore(%arg9 : memref<!tpu.dma_semaphore, #tpu.memory_space<semaphore_mem>>) src(%dma_wait3A_44 : memref<1024xi32, #tpu.memory_space<hbm>>) dst(%arg5 : memref<1024xi32, #tpu.memory_space<vmem>>)
    }
    %scan3A_10 = arith.constant 88 : i32
    return
  }
}

module attributes {stable_mosaic.version = 14 : i64} {
  func.func @_a2_body(%arg0: i32, %arg1: memref<512x512xf32, #tpu.memory_space<vmem>>, %arg2: memref<512x192xf32, #tpu.memory_space<vmem>>, %arg3: memref<1x192xf32, #tpu.memory_space<vmem>>, %arg4: memref<512x2xf32, #tpu.memory_space<vmem>>, %arg5: memref<64x64xf32, #tpu.memory_space<vmem>>, %arg6: memref<64x64xf32, #tpu.memory_space<vmem>>, %arg7: memref<64x64xf32, #tpu.memory_space<vmem>>, %arg8: memref<1x64xf32, #tpu.memory_space<vmem>>, %arg9: memref<256x256xf32, #tpu.memory_space<vmem>>, %arg10: memref<512x256xi32, #tpu.memory_space<vmem>>, %arg11: memref<512x256xf32, #tpu.memory_space<vmem>>) attributes {dimension_semantics = [#tpu.dimension_semantics<arbitrary>], iteration_bounds = array<i64: 44>, scalar_prefetch = 0 : i64, scratch_operands = 0 : i64, tpu.core_type = #tpu.core_type<tc>, window_params = [{transform_indices = @transform_0, window_bounds = array<i64: 512, 512>}, {pipeline_mode = #tpu.pipeline_mode<synchronous>, transform_indices = @transform_1, window_bounds = array<i64: 512, 192>}, {pipeline_mode = #tpu.pipeline_mode<synchronous>, transform_indices = @transform_2, window_bounds = array<i64: 1, 192>}, {transform_indices = @transform_3, window_bounds = array<i64: 512, 2>}, {pipeline_mode = #tpu.pipeline_mode<synchronous>, transform_indices = @transform_4, window_bounds = array<i64: 64, 64>}, {pipeline_mode = #tpu.pipeline_mode<synchronous>, transform_indices = @transform_5, window_bounds = array<i64: 64, 64>}, {pipeline_mode = #tpu.pipeline_mode<synchronous>, transform_indices = @transform_6, window_bounds = array<i64: 64, 64>}, {pipeline_mode = #tpu.pipeline_mode<synchronous>, transform_indices = @transform_7, window_bounds = array<i64: 1, 64>}, {pipeline_mode = #tpu.pipeline_mode<synchronous>, transform_indices = @transform_8, window_bounds = array<i64: 256, 256>}, {transform_indices = @transform_9, window_bounds = array<i64: 512, 256>}, {transform_indices = @transform_10, window_bounds = array<i64: 512, 256>}]} {
    %get3A = arith.constant 0 : index
    %get3A_0 = arith.constant 0 : index
    %get3A_1 = vector.load %arg1[%get3A, %get3A_0] : memref<512x512xf32, #tpu.memory_space<vmem>>, vector<512x512xf32>
    %get3A_2 = arith.constant 0 : index
    %get3A_3 = arith.constant 0 : index
    %get3A_4 = vector.load %arg2[%get3A_2, %get3A_3] : memref<512x192xf32, #tpu.memory_space<vmem>>, vector<512x192xf32>
    %dot_general3A = arith.constant dense<0.000000e+00> : vector<512x192xf32>
    %dot_general3A_5 = tpu.matmul %get3A_1, %get3A_4, %dot_general3A {dimension_numbers = #tpu.dot_dimension_numbers<[1], [0], [0], [1], [0, 0, 1, 1], [], []>, transpose_lhs_hint = false} : vector<512x512xf32>, vector<512x192xf32>, vector<512x192xf32> -> vector<512x192xf32>
    %get3A_6 = arith.constant 0 : index
    %get3A_7 = arith.constant 0 : index
    %get3A_8 = vector.load %arg3[%get3A_6, %get3A_7] : memref<1x192xf32, #tpu.memory_space<vmem>>, vector<1x192xf32>
    %add3A = vector.broadcast %get3A_8 : vector<1x192xf32> to vector<512x192xf32>
    %add3A_9 = arith.addf %dot_general3A_5, %add3A : vector<512x192xf32>
    %slice3A = vector.extract_strided_slice %add3A_9 {offsets = [0, 0], sizes = [512, 64], strides = [1, 1]} : vector<512x192xf32> to vector<512x64xf32>
    %slice3A_10 = vector.extract_strided_slice %add3A_9 {offsets = [0, 64], sizes = [512, 64], strides = [1, 1]} : vector<512x192xf32> to vector<512x64xf32>
    %slice3A_11 = vector.extract_strided_slice %add3A_9 {offsets = [0, 128], sizes = [512, 64], strides = [1, 1]} : vector<512x192xf32> to vector<512x64xf32>
    %get3A_12 = arith.constant 0 : index
    %get3A_13 = arith.constant 0 : index
    %get3A_14 = vector.load %arg6[%get3A_12, %get3A_13] : memref<64x64xf32, #tpu.memory_space<vmem>>, vector<64x64xf32>
    %dot_general3A_15 = arith.constant dense<0.000000e+00> : vector<512x64xf32>
    %dot_general3A_16 = tpu.matmul %slice3A_11, %get3A_14, %dot_general3A_15 {dimension_numbers = #tpu.dot_dimension_numbers<[1], [0], [0], [1], [0, 0, 1, 1], [], []>, transpose_lhs_hint = false} : vector<512x64xf32>, vector<64x64xf32>, vector<512x64xf32> -> vector<512x64xf32>
    %max3A = arith.maximumf %slice3A_11, %dot_general3A_16 : vector<512x64xf32>
    %get3A_17 = arith.constant 0 : index
    %get3A_18 = arith.constant 0 : index
    %get3A_19 = vector.load %arg7[%get3A_17, %get3A_18] : memref<64x64xf32, #tpu.memory_space<vmem>>, vector<64x64xf32>
    %dot_general3A_20 = arith.constant dense<0.000000e+00> : vector<512x64xf32>
    %dot_general3A_21 = tpu.matmul %max3A, %get3A_19, %dot_general3A_20 {dimension_numbers = #tpu.dot_dimension_numbers<[1], [0], [0], [1], [0, 0, 1, 1], [], []>, transpose_lhs_hint = false} : vector<512x64xf32>, vector<64x64xf32>, vector<512x64xf32> -> vector<512x64xf32>
    %max3A_22 = arith.maximumf %max3A, %dot_general3A_21 : vector<512x64xf32>
    %sub3A = arith.subf %slice3A_11, %max3A_22 : vector<512x64xf32>
    %exp3A = math.exp %sub3A : vector<512x64xf32>
    %get3A_23 = arith.constant 0 : index
    %get3A_24 = arith.constant 0 : index
    %get3A_25 = vector.load %arg5[%get3A_23, %get3A_24] : memref<64x64xf32, #tpu.memory_space<vmem>>, vector<64x64xf32>
    %dot_general3A_26 = arith.constant dense<0.000000e+00> : vector<512x64xf32>
    %dot_general3A_27 = tpu.matmul %exp3A, %get3A_25, %dot_general3A_26 {dimension_numbers = #tpu.dot_dimension_numbers<[1], [0], [0], [1], [0, 0, 1, 1], [], []>, transpose_lhs_hint = false} : vector<512x64xf32>, vector<64x64xf32>, vector<512x64xf32> -> vector<512x64xf32>
    %div3A = arith.divf %exp3A, %dot_general3A_27 : vector<512x64xf32>
    %get3A_28 = arith.constant 0 : index
    %get3A_29 = arith.constant 0 : index
    %get3A_30 = vector.load %arg4[%get3A_28, %get3A_29] : memref<512x2xf32, #tpu.memory_space<vmem>>, vector<512x1xf32>
    %get3A_31 = arith.constant 0 : index
    %get3A_32 = arith.constant 1 : index
    %get3A_33 = vector.load %arg4[%get3A_31, %get3A_32] : memref<512x2xf32, #tpu.memory_space<vmem>>, vector<512x1xf32>
    %mul3A = arith.constant 1.500000e+02 : f32
    %mul3A_34 = vector.broadcast %mul3A : f32 to vector<512x1xf32>
    %mul3A_35 = arith.mulf %get3A_30, %mul3A_34 : vector<512x1xf32>
    %add3A_36 = vector.broadcast %mul3A_35 : vector<512x1xf32> to vector<512x64xf32>
    %add3A_37 = arith.addf %add3A_36, %slice3A : vector<512x64xf32>
    %sub3A_38 = arith.constant 5.000000e-01 : f32
    %sub3A_39 = vector.broadcast %sub3A_38 : f32 to vector<512x64xf32>
    %sub3A_40 = arith.subf %add3A_37, %sub3A_39 : vector<512x64xf32>
    %mul3A_41 = arith.constant 1.500000e+02 : f32
    %mul3A_42 = vector.broadcast %mul3A_41 : f32 to vector<512x1xf32>
    %mul3A_43 = arith.mulf %get3A_33, %mul3A_42 : vector<512x1xf32>
    %add3A_44 = vector.broadcast %mul3A_43 : vector<512x1xf32> to vector<512x64xf32>
    %add3A_45 = arith.addf %add3A_44, %slice3A_10 : vector<512x64xf32>
    %sub3A_46 = arith.constant 5.000000e-01 : f32
    %sub3A_47 = vector.broadcast %sub3A_46 : f32 to vector<512x64xf32>
    %sub3A_48 = arith.subf %add3A_45, %sub3A_47 : vector<512x64xf32>
    %floor3A = math.floor %sub3A_40 : vector<512x64xf32>
    %floor3A_49 = math.floor %sub3A_48 : vector<512x64xf32>
    %sub3A_50 = arith.subf %sub3A_40, %floor3A : vector<512x64xf32>
    %sub3A_51 = arith.subf %sub3A_48, %floor3A_49 : vector<512x64xf32>
    %add3A_52 = arith.constant 1.000000e+00 : f32
    %add3A_53 = vector.broadcast %add3A_52 : f32 to vector<512x64xf32>
    %add3A_54 = arith.addf %floor3A, %add3A_53 : vector<512x64xf32>
    %add3A_55 = arith.constant 1.000000e+00 : f32
    %add3A_56 = vector.broadcast %add3A_55 : f32 to vector<512x64xf32>
    %add3A_57 = arith.addf %floor3A_49, %add3A_56 : vector<512x64xf32>
    %sub3A_58 = arith.constant 1.000000e+00 : f32
    %sub3A_59 = vector.broadcast %sub3A_58 : f32 to vector<512x64xf32>
    %sub3A_60 = arith.subf %sub3A_59, %sub3A_50 : vector<512x64xf32>
    %sub3A_61 = arith.constant 1.000000e+00 : f32
    %sub3A_62 = vector.broadcast %sub3A_61 : f32 to vector<512x64xf32>
    %sub3A_63 = arith.subf %sub3A_62, %sub3A_51 : vector<512x64xf32>
    %mul3A_64 = arith.mulf %sub3A_60, %sub3A_63 : vector<512x64xf32>
    %ge3A = arith.constant 0.000000e+00 : f32
    %ge3A_65 = vector.broadcast %ge3A : f32 to vector<512x64xf32>
    %ge3A_66 = arith.cmpf oge, %floor3A, %ge3A_65 : vector<512x64xf32>
    %le3A = arith.constant 1.490000e+02 : f32
    %le3A_67 = vector.broadcast %le3A : f32 to vector<512x64xf32>
    %le3A_68 = arith.cmpf ole, %floor3A, %le3A_67 : vector<512x64xf32>
    %and3A = arith.andi %ge3A_66, %le3A_68 : vector<512x64xi1>
    %ge3A_69 = arith.constant 0.000000e+00 : f32
    %ge3A_70 = vector.broadcast %ge3A_69 : f32 to vector<512x64xf32>
    %ge3A_71 = arith.cmpf oge, %floor3A_49, %ge3A_70 : vector<512x64xf32>
    %and3A_72 = arith.andi %and3A, %ge3A_71 : vector<512x64xi1>
    %le3A_73 = arith.constant 1.490000e+02 : f32
    %le3A_74 = vector.broadcast %le3A_73 : f32 to vector<512x64xf32>
    %le3A_75 = arith.cmpf ole, %floor3A_49, %le3A_74 : vector<512x64xf32>
    %and3A_76 = arith.andi %and3A_72, %le3A_75 : vector<512x64xi1>
    %jit3A = arith.constant 0.000000e+00 : f32
    %jit3A_77 = arith.constant 1.490000e+02 : f32
    %max3A_78 = vector.broadcast %jit3A : f32 to vector<512x64xf32>
    %max3A_79 = arith.maximumf %max3A_78, %floor3A : vector<512x64xf32>
    %min3A = vector.broadcast %jit3A_77 : f32 to vector<512x64xf32>
    %min3A_80 = arith.minimumf %min3A, %max3A_79 : vector<512x64xf32>
    %jit3A_81 = arith.constant 0.000000e+00 : f32
    %jit3A_82 = arith.constant 1.490000e+02 : f32
    %max3A_83 = vector.broadcast %jit3A_81 : f32 to vector<512x64xf32>
    %max3A_84 = arith.maximumf %max3A_83, %floor3A_49 : vector<512x64xf32>
    %min3A_85 = vector.broadcast %jit3A_82 : f32 to vector<512x64xf32>
    %min3A_86 = arith.minimumf %min3A_85, %max3A_84 : vector<512x64xf32>
    %mul3A_87 = arith.constant 1.500000e+02 : f32
    %mul3A_88 = vector.broadcast %mul3A_87 : f32 to vector<512x64xf32>
    %mul3A_89 = arith.mulf %min3A_86, %mul3A_88 : vector<512x64xf32>
    %add3A_90 = arith.addf %mul3A_89, %min3A_80 : vector<512x64xf32>
    %get3A_91 = arith.constant 0 : index
    %get3A_92 = arith.constant 0 : index
    %get3A_93 = vector.load %arg8[%get3A_91, %get3A_92] : memref<1x64xf32, #tpu.memory_space<vmem>>, vector<1x64xf32>
    %add3A_94 = vector.broadcast %get3A_93 : vector<1x64xf32> to vector<512x64xf32>
    %add3A_95 = arith.addf %add3A_90, %add3A_94 : vector<512x64xf32>
    %mul3A_96 = arith.mulf %mul3A_64, %div3A : vector<512x64xf32>
    %convert_element_type3A = arith.extui %and3A_76 : vector<512x64xi1> to vector<512x64xi32>
    %convert_element_type3A_97 = arith.sitofp %convert_element_type3A : vector<512x64xi32> to vector<512x64xf32>
    %mul3A_98 = arith.mulf %mul3A_96, %convert_element_type3A_97 : vector<512x64xf32>
    %sub3A_99 = arith.constant 1.000000e+00 : f32
    %sub3A_100 = vector.broadcast %sub3A_99 : f32 to vector<512x64xf32>
    %sub3A_101 = arith.subf %sub3A_100, %sub3A_50 : vector<512x64xf32>
    %mul3A_102 = arith.mulf %sub3A_101, %sub3A_51 : vector<512x64xf32>
    %ge3A_103 = arith.constant 0.000000e+00 : f32
    %ge3A_104 = vector.broadcast %ge3A_103 : f32 to vector<512x64xf32>
    %ge3A_105 = arith.cmpf oge, %floor3A, %ge3A_104 : vector<512x64xf32>
    %le3A_106 = arith.constant 1.490000e+02 : f32
    %le3A_107 = vector.broadcast %le3A_106 : f32 to vector<512x64xf32>
    %le3A_108 = arith.cmpf ole, %floor3A, %le3A_107 : vector<512x64xf32>
    %and3A_109 = arith.andi %ge3A_105, %le3A_108 : vector<512x64xi1>
    %ge3A_110 = arith.constant 0.000000e+00 : f32
    %ge3A_111 = vector.broadcast %ge3A_110 : f32 to vector<512x64xf32>
    %ge3A_112 = arith.cmpf oge, %add3A_57, %ge3A_111 : vector<512x64xf32>
    %and3A_113 = arith.andi %and3A_109, %ge3A_112 : vector<512x64xi1>
    %le3A_114 = arith.constant 1.490000e+02 : f32
    %le3A_115 = vector.broadcast %le3A_114 : f32 to vector<512x64xf32>
    %le3A_116 = arith.cmpf ole, %add3A_57, %le3A_115 : vector<512x64xf32>
    %and3A_117 = arith.andi %and3A_113, %le3A_116 : vector<512x64xi1>
    %jit3A_118 = arith.constant 0.000000e+00 : f32
    %jit3A_119 = arith.constant 1.490000e+02 : f32
    %max3A_120 = vector.broadcast %jit3A_118 : f32 to vector<512x64xf32>
    %max3A_121 = arith.maximumf %max3A_120, %floor3A : vector<512x64xf32>
    %min3A_122 = vector.broadcast %jit3A_119 : f32 to vector<512x64xf32>
    %min3A_123 = arith.minimumf %min3A_122, %max3A_121 : vector<512x64xf32>
    %jit3A_124 = arith.constant 0.000000e+00 : f32
    %jit3A_125 = arith.constant 1.490000e+02 : f32
    %max3A_126 = vector.broadcast %jit3A_124 : f32 to vector<512x64xf32>
    %max3A_127 = arith.maximumf %max3A_126, %add3A_57 : vector<512x64xf32>
    %min3A_128 = vector.broadcast %jit3A_125 : f32 to vector<512x64xf32>
    %min3A_129 = arith.minimumf %min3A_128, %max3A_127 : vector<512x64xf32>
    %mul3A_130 = arith.constant 1.500000e+02 : f32
    %mul3A_131 = vector.broadcast %mul3A_130 : f32 to vector<512x64xf32>
    %mul3A_132 = arith.mulf %min3A_129, %mul3A_131 : vector<512x64xf32>
    %add3A_133 = arith.addf %mul3A_132, %min3A_123 : vector<512x64xf32>
    %get3A_134 = arith.constant 0 : index
    %get3A_135 = arith.constant 0 : index
    %get3A_136 = vector.load %arg8[%get3A_134, %get3A_135] : memref<1x64xf32, #tpu.memory_space<vmem>>, vector<1x64xf32>
    %add3A_137 = vector.broadcast %get3A_136 : vector<1x64xf32> to vector<512x64xf32>
    %add3A_138 = arith.addf %add3A_133, %add3A_137 : vector<512x64xf32>
    %mul3A_139 = arith.mulf %mul3A_102, %div3A : vector<512x64xf32>
    %convert_element_type3A_140 = arith.extui %and3A_117 : vector<512x64xi1> to vector<512x64xi32>
    %convert_element_type3A_141 = arith.sitofp %convert_element_type3A_140 : vector<512x64xi32> to vector<512x64xf32>
    %mul3A_142 = arith.mulf %mul3A_139, %convert_element_type3A_141 : vector<512x64xf32>
    %sub3A_143 = arith.constant 1.000000e+00 : f32
    %sub3A_144 = vector.broadcast %sub3A_143 : f32 to vector<512x64xf32>
    %sub3A_145 = arith.subf %sub3A_144, %sub3A_51 : vector<512x64xf32>
    %mul3A_146 = arith.mulf %sub3A_50, %sub3A_145 : vector<512x64xf32>
    %ge3A_147 = arith.constant 0.000000e+00 : f32
    %ge3A_148 = vector.broadcast %ge3A_147 : f32 to vector<512x64xf32>
    %ge3A_149 = arith.cmpf oge, %add3A_54, %ge3A_148 : vector<512x64xf32>
    %le3A_150 = arith.constant 1.490000e+02 : f32
    %le3A_151 = vector.broadcast %le3A_150 : f32 to vector<512x64xf32>
    %le3A_152 = arith.cmpf ole, %add3A_54, %le3A_151 : vector<512x64xf32>
    %and3A_153 = arith.andi %ge3A_149, %le3A_152 : vector<512x64xi1>
    %ge3A_154 = arith.constant 0.000000e+00 : f32
    %ge3A_155 = vector.broadcast %ge3A_154 : f32 to vector<512x64xf32>
    %ge3A_156 = arith.cmpf oge, %floor3A_49, %ge3A_155 : vector<512x64xf32>
    %and3A_157 = arith.andi %and3A_153, %ge3A_156 : vector<512x64xi1>
    %le3A_158 = arith.constant 1.490000e+02 : f32
    %le3A_159 = vector.broadcast %le3A_158 : f32 to vector<512x64xf32>
    %le3A_160 = arith.cmpf ole, %floor3A_49, %le3A_159 : vector<512x64xf32>
    %and3A_161 = arith.andi %and3A_157, %le3A_160 : vector<512x64xi1>
    %jit3A_162 = arith.constant 0.000000e+00 : f32
    %jit3A_163 = arith.constant 1.490000e+02 : f32
    %max3A_164 = vector.broadcast %jit3A_162 : f32 to vector<512x64xf32>
    %max3A_165 = arith.maximumf %max3A_164, %add3A_54 : vector<512x64xf32>
    %min3A_166 = vector.broadcast %jit3A_163 : f32 to vector<512x64xf32>
    %min3A_167 = arith.minimumf %min3A_166, %max3A_165 : vector<512x64xf32>
    %jit3A_168 = arith.constant 0.000000e+00 : f32
    %jit3A_169 = arith.constant 1.490000e+02 : f32
    %max3A_170 = vector.broadcast %jit3A_168 : f32 to vector<512x64xf32>
    %max3A_171 = arith.maximumf %max3A_170, %floor3A_49 : vector<512x64xf32>
    %min3A_172 = vector.broadcast %jit3A_169 : f32 to vector<512x64xf32>
    %min3A_173 = arith.minimumf %min3A_172, %max3A_171 : vector<512x64xf32>
    %mul3A_174 = arith.constant 1.500000e+02 : f32
    %mul3A_175 = vector.broadcast %mul3A_174 : f32 to vector<512x64xf32>
    %mul3A_176 = arith.mulf %min3A_173, %mul3A_175 : vector<512x64xf32>
    %add3A_177 = arith.addf %mul3A_176, %min3A_167 : vector<512x64xf32>
    %get3A_178 = arith.constant 0 : index
    %get3A_179 = arith.constant 0 : index
    %get3A_180 = vector.load %arg8[%get3A_178, %get3A_179] : memref<1x64xf32, #tpu.memory_space<vmem>>, vector<1x64xf32>
    %add3A_181 = vector.broadcast %get3A_180 : vector<1x64xf32> to vector<512x64xf32>
    %add3A_182 = arith.addf %add3A_177, %add3A_181 : vector<512x64xf32>
    %mul3A_183 = arith.mulf %mul3A_146, %div3A : vector<512x64xf32>
    %convert_element_type3A_184 = arith.extui %and3A_161 : vector<512x64xi1> to vector<512x64xi32>
    %convert_element_type3A_185 = arith.sitofp %convert_element_type3A_184 : vector<512x64xi32> to vector<512x64xf32>
    %mul3A_186 = arith.mulf %mul3A_183, %convert_element_type3A_185 : vector<512x64xf32>
    %mul3A_187 = arith.mulf %sub3A_50, %sub3A_51 : vector<512x64xf32>
    %ge3A_188 = arith.constant 0.000000e+00 : f32
    %ge3A_189 = vector.broadcast %ge3A_188 : f32 to vector<512x64xf32>
    %ge3A_190 = arith.cmpf oge, %add3A_54, %ge3A_189 : vector<512x64xf32>
    %le3A_191 = arith.constant 1.490000e+02 : f32
    %le3A_192 = vector.broadcast %le3A_191 : f32 to vector<512x64xf32>
    %le3A_193 = arith.cmpf ole, %add3A_54, %le3A_192 : vector<512x64xf32>
    %and3A_194 = arith.andi %ge3A_190, %le3A_193 : vector<512x64xi1>
    %ge3A_195 = arith.constant 0.000000e+00 : f32
    %ge3A_196 = vector.broadcast %ge3A_195 : f32 to vector<512x64xf32>
    %ge3A_197 = arith.cmpf oge, %add3A_57, %ge3A_196 : vector<512x64xf32>
    %and3A_198 = arith.andi %and3A_194, %ge3A_197 : vector<512x64xi1>
    %le3A_199 = arith.constant 1.490000e+02 : f32
    %le3A_200 = vector.broadcast %le3A_199 : f32 to vector<512x64xf32>
    %le3A_201 = arith.cmpf ole, %add3A_57, %le3A_200 : vector<512x64xf32>
    %and3A_202 = arith.andi %and3A_198, %le3A_201 : vector<512x64xi1>
    %jit3A_203 = arith.constant 0.000000e+00 : f32
    %jit3A_204 = arith.constant 1.490000e+02 : f32
    %max3A_205 = vector.broadcast %jit3A_203 : f32 to vector<512x64xf32>
    %max3A_206 = arith.maximumf %max3A_205, %add3A_54 : vector<512x64xf32>
    %min3A_207 = vector.broadcast %jit3A_204 : f32 to vector<512x64xf32>
    %min3A_208 = arith.minimumf %min3A_207, %max3A_206 : vector<512x64xf32>
    %jit3A_209 = arith.constant 0.000000e+00 : f32
    %jit3A_210 = arith.constant 1.490000e+02 : f32
    %max3A_211 = vector.broadcast %jit3A_209 : f32 to vector<512x64xf32>
    %max3A_212 = arith.maximumf %max3A_211, %add3A_57 : vector<512x64xf32>
    %min3A_213 = vector.broadcast %jit3A_210 : f32 to vector<512x64xf32>
    %min3A_214 = arith.minimumf %min3A_213, %max3A_212 : vector<512x64xf32>
    %mul3A_215 = arith.constant 1.500000e+02 : f32
    %mul3A_216 = vector.broadcast %mul3A_215 : f32 to vector<512x64xf32>
    %mul3A_217 = arith.mulf %min3A_214, %mul3A_216 : vector<512x64xf32>
    %add3A_218 = arith.addf %mul3A_217, %min3A_208 : vector<512x64xf32>
    %get3A_219 = arith.constant 0 : index
    %get3A_220 = arith.constant 0 : index
    %get3A_221 = vector.load %arg8[%get3A_219, %get3A_220] : memref<1x64xf32, #tpu.memory_space<vmem>>, vector<1x64xf32>
    %add3A_222 = vector.broadcast %get3A_221 : vector<1x64xf32> to vector<512x64xf32>
    %add3A_223 = arith.addf %add3A_218, %add3A_222 : vector<512x64xf32>
    %mul3A_224 = arith.mulf %mul3A_187, %div3A : vector<512x64xf32>
    %convert_element_type3A_225 = arith.extui %and3A_202 : vector<512x64xi1> to vector<512x64xi32>
    %convert_element_type3A_226 = arith.sitofp %convert_element_type3A_225 : vector<512x64xi32> to vector<512x64xf32>
    %mul3A_227 = arith.mulf %mul3A_224, %convert_element_type3A_226 : vector<512x64xf32>
    %slice3A_228 = vector.extract_strided_slice %add3A_95 {offsets = [0, 0], sizes = [512, 16], strides = [1, 1]} : vector<512x64xf32> to vector<512x16xf32>
    %slice3A_229 = vector.extract_strided_slice %add3A_138 {offsets = [0, 0], sizes = [512, 16], strides = [1, 1]} : vector<512x64xf32> to vector<512x16xf32>
    %slice3A_230 = vector.extract_strided_slice %add3A_182 {offsets = [0, 0], sizes = [512, 16], strides = [1, 1]} : vector<512x64xf32> to vector<512x16xf32>
    %slice3A_231 = vector.extract_strided_slice %add3A_223 {offsets = [0, 0], sizes = [512, 16], strides = [1, 1]} : vector<512x64xf32> to vector<512x16xf32>
    %slice3A_232 = vector.extract_strided_slice %add3A_95 {offsets = [0, 16], sizes = [512, 16], strides = [1, 1]} : vector<512x64xf32> to vector<512x16xf32>
    %slice3A_233 = vector.extract_strided_slice %add3A_138 {offsets = [0, 16], sizes = [512, 16], strides = [1, 1]} : vector<512x64xf32> to vector<512x16xf32>
    %slice3A_234 = vector.extract_strided_slice %add3A_182 {offsets = [0, 16], sizes = [512, 16], strides = [1, 1]} : vector<512x64xf32> to vector<512x16xf32>
    %slice3A_235 = vector.extract_strided_slice %add3A_223 {offsets = [0, 16], sizes = [512, 16], strides = [1, 1]} : vector<512x64xf32> to vector<512x16xf32>
    %slice3A_236 = vector.extract_strided_slice %add3A_95 {offsets = [0, 32], sizes = [512, 16], strides = [1, 1]} : vector<512x64xf32> to vector<512x16xf32>
    %slice3A_237 = vector.extract_strided_slice %add3A_138 {offsets = [0, 32], sizes = [512, 16], strides = [1, 1]} : vector<512x64xf32> to vector<512x16xf32>
    %slice3A_238 = vector.extract_strided_slice %add3A_182 {offsets = [0, 32], sizes = [512, 16], strides = [1, 1]} : vector<512x64xf32> to vector<512x16xf32>
    %slice3A_239 = vector.extract_strided_slice %add3A_223 {offsets = [0, 32], sizes = [512, 16], strides = [1, 1]} : vector<512x64xf32> to vector<512x16xf32>
    %slice3A_240 = vector.extract_strided_slice %add3A_95 {offsets = [0, 48], sizes = [512, 16], strides = [1, 1]} : vector<512x64xf32> to vector<512x16xf32>
    %slice3A_241 = vector.extract_strided_slice %add3A_138 {offsets = [0, 48], sizes = [512, 16], strides = [1, 1]} : vector<512x64xf32> to vector<512x16xf32>
    %slice3A_242 = vector.extract_strided_slice %add3A_182 {offsets = [0, 48], sizes = [512, 16], strides = [1, 1]} : vector<512x64xf32> to vector<512x16xf32>
    %slice3A_243 = vector.extract_strided_slice %add3A_223 {offsets = [0, 48], sizes = [512, 16], strides = [1, 1]} : vector<512x64xf32> to vector<512x16xf32>
    %concatenate3A = tpu.concatenate %slice3A_228, %slice3A_229, %slice3A_230, %slice3A_231, %slice3A_232, %slice3A_233, %slice3A_234, %slice3A_235, %slice3A_236, %slice3A_237, %slice3A_238, %slice3A_239, %slice3A_240, %slice3A_241, %slice3A_242, %slice3A_243 in 1 : vector<512x16xf32>, vector<512x16xf32>, vector<512x16xf32>, vector<512x16xf32>, vector<512x16xf32>, vector<512x16xf32>, vector<512x16xf32>, vector<512x16xf32>, vector<512x16xf32>, vector<512x16xf32>, vector<512x16xf32>, vector<512x16xf32>, vector<512x16xf32>, vector<512x16xf32>, vector<512x16xf32>, vector<512x16xf32> -> vector<512x256xf32>
    %slice3A_244 = vector.extract_strided_slice %mul3A_98 {offsets = [0, 0], sizes = [512, 16], strides = [1, 1]} : vector<512x64xf32> to vector<512x16xf32>
    %slice3A_245 = vector.extract_strided_slice %mul3A_142 {offsets = [0, 0], sizes = [512, 16], strides = [1, 1]} : vector<512x64xf32> to vector<512x16xf32>
    %slice3A_246 = vector.extract_strided_slice %mul3A_186 {offsets = [0, 0], sizes = [512, 16], strides = [1, 1]} : vector<512x64xf32> to vector<512x16xf32>
    %slice3A_247 = vector.extract_strided_slice %mul3A_227 {offsets = [0, 0], sizes = [512, 16], strides = [1, 1]} : vector<512x64xf32> to vector<512x16xf32>
    %slice3A_248 = vector.extract_strided_slice %mul3A_98 {offsets = [0, 16], sizes = [512, 16], strides = [1, 1]} : vector<512x64xf32> to vector<512x16xf32>
    %slice3A_249 = vector.extract_strided_slice %mul3A_142 {offsets = [0, 16], sizes = [512, 16], strides = [1, 1]} : vector<512x64xf32> to vector<512x16xf32>
    %slice3A_250 = vector.extract_strided_slice %mul3A_186 {offsets = [0, 16], sizes = [512, 16], strides = [1, 1]} : vector<512x64xf32> to vector<512x16xf32>
    %slice3A_251 = vector.extract_strided_slice %mul3A_227 {offsets = [0, 16], sizes = [512, 16], strides = [1, 1]} : vector<512x64xf32> to vector<512x16xf32>
    %slice3A_252 = vector.extract_strided_slice %mul3A_98 {offsets = [0, 32], sizes = [512, 16], strides = [1, 1]} : vector<512x64xf32> to vector<512x16xf32>
    %slice3A_253 = vector.extract_strided_slice %mul3A_142 {offsets = [0, 32], sizes = [512, 16], strides = [1, 1]} : vector<512x64xf32> to vector<512x16xf32>
    %slice3A_254 = vector.extract_strided_slice %mul3A_186 {offsets = [0, 32], sizes = [512, 16], strides = [1, 1]} : vector<512x64xf32> to vector<512x16xf32>
    %slice3A_255 = vector.extract_strided_slice %mul3A_227 {offsets = [0, 32], sizes = [512, 16], strides = [1, 1]} : vector<512x64xf32> to vector<512x16xf32>
    %slice3A_256 = vector.extract_strided_slice %mul3A_98 {offsets = [0, 48], sizes = [512, 16], strides = [1, 1]} : vector<512x64xf32> to vector<512x16xf32>
    %slice3A_257 = vector.extract_strided_slice %mul3A_142 {offsets = [0, 48], sizes = [512, 16], strides = [1, 1]} : vector<512x64xf32> to vector<512x16xf32>
    %slice3A_258 = vector.extract_strided_slice %mul3A_186 {offsets = [0, 48], sizes = [512, 16], strides = [1, 1]} : vector<512x64xf32> to vector<512x16xf32>
    %slice3A_259 = vector.extract_strided_slice %mul3A_227 {offsets = [0, 48], sizes = [512, 16], strides = [1, 1]} : vector<512x64xf32> to vector<512x16xf32>
    %concatenate3A_260 = tpu.concatenate %slice3A_244, %slice3A_245, %slice3A_246, %slice3A_247, %slice3A_248, %slice3A_249, %slice3A_250, %slice3A_251, %slice3A_252, %slice3A_253, %slice3A_254, %slice3A_255, %slice3A_256, %slice3A_257, %slice3A_258, %slice3A_259 in 1 : vector<512x16xf32>, vector<512x16xf32>, vector<512x16xf32>, vector<512x16xf32>, vector<512x16xf32>, vector<512x16xf32>, vector<512x16xf32>, vector<512x16xf32>, vector<512x16xf32>, vector<512x16xf32>, vector<512x16xf32>, vector<512x16xf32>, vector<512x16xf32>, vector<512x16xf32>, vector<512x16xf32>, vector<512x16xf32> -> vector<512x256xf32>
    %convert_element_type3A_261 = arith.fptosi %concatenate3A : vector<512x256xf32> to vector<512x256xi32>
    %swap3A = arith.constant 0 : index
    %swap3A_262 = arith.constant 0 : index
    %swap3A_263 = vector.load %arg10[%swap3A, %swap3A_262] : memref<512x256xi32, #tpu.memory_space<vmem>>, vector<512x256xi32>
    tpu.vector_store %arg10[%swap3A, %swap3A_262], %convert_element_type3A_261 {strides = array<i32>} : memref<512x256xi32, #tpu.memory_space<vmem>>, vector<512x256xi32>,
    %swap3A_264 = arith.constant 0 : index
    %swap3A_265 = arith.constant 0 : index
    %swap3A_266 = vector.load %arg11[%swap3A_264, %swap3A_265] : memref<512x256xf32, #tpu.memory_space<vmem>>, vector<512x256xf32>
    tpu.vector_store %arg11[%swap3A_264, %swap3A_265], %concatenate3A_260 {strides = array<i32>} : memref<512x256xf32, #tpu.memory_space<vmem>>, vector<512x256xf32>,
    return
  }
  func.func @transform_0(%arg0: i32) -> (i32, i32) {
    %c0_i32 = arith.constant 0 : i32
    %c0_i32_0 = arith.constant 0 : i32
    return %arg0, %c0_i32 : i32, i32
  }
  func.func @transform_1(%arg0: i32) -> (i32, i32) {
    %c0_i32 = arith.constant 0 : i32
    %c0_i32_0 = arith.constant 0 : i32
    %c0_i32_1 = arith.constant 0 : i32
    return %c0_i32, %c0_i32_0 : i32, i32
  }
  func.func @transform_2(%arg0: i32) -> (i32, i32) {
    %c0_i32 = arith.constant 0 : i32
    %c0_i32_0 = arith.constant 0 : i32
    %c0_i32_1 = arith.constant 0 : i32
    return %c0_i32, %c0_i32_0 : i32, i32
  }
  func.func @transform_3(%arg0: i32) -> (i32, i32) {
    %c0_i32 = arith.constant 0 : i32
    %c0_i32_0 = arith.constant 0 : i32
    return %arg0, %c0_i32 : i32, i32
  }
  func.func @transform_4(%arg0: i32) -> (i32, i32) {
    %c0_i32 = arith.constant 0 : i32
    %c0_i32_0 = arith.constant 0 : i32
    %c0_i32_1 = arith.constant 0 : i32
    return %c0_i32, %c0_i32_0 : i32, i32
  }
  func.func @transform_5(%arg0: i32) -> (i32, i32) {
    %c0_i32 = arith.constant 0 : i32
    %c0_i32_0 = arith.constant 0 : i32
    %c0_i32_1 = arith.constant 0 : i32
    return %c0_i32, %c0_i32_0 : i32, i32
  }
  func.func @transform_6(%arg0: i32) -> (i32, i32) {
    %c0_i32 = arith.constant 0 : i32
    %c0_i32_0 = arith.constant 0 : i32
    %c0_i32_1 = arith.constant 0 : i32
    return %c0_i32, %c0_i32_0 : i32, i32
  }
  func.func @transform_7(%arg0: i32) -> (i32, i32) {
    %c0_i32 = arith.constant 0 : i32
    %c0_i32_0 = arith.constant 0 : i32
    %c0_i32_1 = arith.constant 0 : i32
    return %c0_i32, %c0_i32_0 : i32, i32
  }
  func.func @transform_8(%arg0: i32) -> (i32, i32) {
    %c0_i32 = arith.constant 0 : i32
    %c0_i32_0 = arith.constant 0 : i32
    %c0_i32_1 = arith.constant 0 : i32
    return %c0_i32, %c0_i32_0 : i32, i32
  }
  func.func @transform_9(%arg0: i32) -> (i32, i32) {
    %c0_i32 = arith.constant 0 : i32
    %c0_i32_0 = arith.constant 0 : i32
    return %arg0, %c0_i32 : i32, i32
  }
  func.func @transform_10(%arg0: i32) -> (i32, i32) {
    %c0_i32 = arith.constant 0 : i32
    %c0_i32_0 = arith.constant 0 : i32
    return %arg0, %c0_i32 : i32, i32
  }
}

module attributes {stable_mosaic.version = 14 : i64} {
  func.func @_a1_body(%arg0: i32, %arg1: i32, %arg2: i32, %arg3: memref<1x512x256xf32, #tpu.memory_space<vmem>>, %arg4: memref<1x256x32xf32, #tpu.memory_space<vmem>>, %arg5: memref<1x1x32xf32, #tpu.memory_space<vmem>>, %arg6: memref<1x512x32xf32, #tpu.memory_space<vmem>>) attributes {dimension_semantics = [#tpu.dimension_semantics<arbitrary>, #tpu.dimension_semantics<arbitrary>, #tpu.dimension_semantics<arbitrary>], iteration_bounds = array<i64: 2, 44, 8>, scalar_prefetch = 0 : i64, scratch_operands = 0 : i64, tpu.core_type = #tpu.core_type<tc>, window_params = [{transform_indices = @transform_0, window_bounds = array<i64: 1, 512, 256>}, {transform_indices = @transform_1, window_bounds = array<i64: 1, 256, 32>}, {transform_indices = @transform_2, window_bounds = array<i64: 1, 1, 32>}, {transform_indices = @transform_3, window_bounds = array<i64: 1, 512, 32>}]} {
    %get3A = arith.constant 0 : index
    %get3A_0 = arith.constant 0 : index
    %get3A_1 = arith.constant 0 : index
    %get3A_2 = vector.load %arg3[%get3A, %get3A_0, %get3A_1] : memref<1x512x256xf32, #tpu.memory_space<vmem>>, vector<1x512x256xf32>
    %get3A_3 = vector.shape_cast %get3A_2 : vector<1x512x256xf32> to vector<512x256xf32>
    %get3A_4 = arith.constant 0 : index
    %get3A_5 = arith.constant 0 : index
    %get3A_6 = arith.constant 0 : index
    %get3A_7 = vector.load %arg4[%get3A_4, %get3A_5, %get3A_6] : memref<1x256x32xf32, #tpu.memory_space<vmem>>, vector<1x256x32xf32>
    %get3A_8 = vector.shape_cast %get3A_7 : vector<1x256x32xf32> to vector<256x32xf32>
    %dot_general3A = arith.constant dense<0.000000e+00> : vector<512x32xf32>
    %dot_general3A_9 = tpu.matmul %get3A_3, %get3A_8, %dot_general3A {dimension_numbers = #tpu.dot_dimension_numbers<[1], [0], [0], [1], [0, 0, 1, 1], [], []>, transpose_lhs_hint = false} : vector<512x256xf32>, vector<256x32xf32>, vector<512x32xf32> -> vector<512x32xf32>
    %get3A_10 = arith.constant 0 : index
    %get3A_11 = arith.constant 0 : index
    %get3A_12 = arith.constant 0 : index
    %get3A_13 = vector.load %arg5[%get3A_10, %get3A_11, %get3A_12] : memref<1x1x32xf32, #tpu.memory_space<vmem>>, vector<1x1x32xf32>
    %get3A_14 = vector.shape_cast %get3A_13 : vector<1x1x32xf32> to vector<1x32xf32>
    %add3A = vector.broadcast %get3A_14 : vector<1x32xf32> to vector<512x32xf32>
    %add3A_15 = arith.addf %dot_general3A_9, %add3A : vector<512x32xf32>
    %swap3A = arith.constant 0 : index
    %swap3A_16 = arith.constant 0 : index
    %swap3A_17 = arith.constant 0 : index
    %swap3A_18 = vector.load %arg6[%swap3A, %swap3A_16, %swap3A_17] : memref<1x512x32xf32, #tpu.memory_space<vmem>>, vector<1x512x32xf32>
    %swap3A_19 = vector.shape_cast %swap3A_18 : vector<1x512x32xf32> to vector<512x32xf32>
    %swap3A_20 = vector.shape_cast %add3A_15 : vector<512x32xf32> to vector<1x512x32xf32>
    tpu.vector_store %arg6[%swap3A, %swap3A_16, %swap3A_17], %swap3A_20 {strides = array<i32>} : memref<1x512x32xf32, #tpu.memory_space<vmem>>, vector<1x512x32xf32>,
    return
  }
  func.func @transform_0(%arg0: i32, %arg1: i32, %arg2: i32) -> (i32, i32, i32) {
    %c0_i32 = arith.constant 0 : i32
    %c0_i32_0 = arith.constant 0 : i32
    return %arg0, %arg1, %c0_i32 : i32, i32, i32
  }
  func.func @transform_1(%arg0: i32, %arg1: i32, %arg2: i32) -> (i32, i32, i32) {
    %c0_i32 = arith.constant 0 : i32
    %c0_i32_0 = arith.constant 0 : i32
    %c0_i32_1 = arith.constant 0 : i32
    return %arg2, %c0_i32, %c0_i32_0 : i32, i32, i32
  }
  func.func @transform_2(%arg0: i32, %arg1: i32, %arg2: i32) -> (i32, i32, i32) {
    %c0_i32 = arith.constant 0 : i32
    %c0_i32_0 = arith.constant 0 : i32
    %c0_i32_1 = arith.constant 0 : i32
    return %arg2, %c0_i32, %c0_i32_0 : i32, i32, i32
  }
  func.func @transform_3(%arg0: i32, %arg1: i32, %arg2: i32) -> (i32, i32, i32) {
    %mul3A = arith.constant 8 : i32
    %mul3A_0 = arith.muli %arg0, %mul3A : i32
    %add3A = arith.addi %mul3A_0, %arg2 : i32
    %c0_i32 = arith.constant 0 : i32
    %c0_i32_1 = arith.constant 0 : i32
    return %add3A, %arg1, %c0_i32 : i32, i32, i32
  }
}

module attributes {stable_mosaic.version = 14 : i64} {
  func.func @_c_body(%arg0: i32, %arg1: memref<128x8192xf32, #tpu.memory_space<vmem>>, %arg2: memref<128x256xf32, #tpu.memory_space<vmem>>, %arg3: memref<128x256xf32, #tpu.memory_space<vmem>>, %arg4: memref<256x256xf32, #tpu.memory_space<vmem>>, %arg5: memref<1x256xf32, #tpu.memory_space<vmem>>, %arg6: memref<16x512xf32, #tpu.memory_space<vmem>>, %arg7: memref<128x256xf32, #tpu.memory_space<vmem>>) attributes {dimension_semantics = [#tpu.dimension_semantics<arbitrary>], iteration_bounds = array<i64: 176>, scalar_prefetch = 0 : i64, scratch_operands = 0 : i64, tpu.core_type = #tpu.core_type<tc>, window_params = [{transform_indices = @transform_0, window_bounds = array<i64: 128, 8192>}, {transform_indices = @transform_1, window_bounds = array<i64: 128, 256>}, {transform_indices = @transform_2, window_bounds = array<i64: 128, 256>}, {pipeline_mode = #tpu.pipeline_mode<synchronous>, transform_indices = @transform_3, window_bounds = array<i64: 256, 256>}, {pipeline_mode = #tpu.pipeline_mode<synchronous>, transform_indices = @transform_4, window_bounds = array<i64: 1, 256>}, {pipeline_mode = #tpu.pipeline_mode<synchronous>, transform_indices = @transform_5, window_bounds = array<i64: 16, 512>}, {transform_indices = @transform_6, window_bounds = array<i64: 128, 256>}]} {
    %get3A = arith.constant 0 : index
    %get3A_0 = arith.constant 0 : index
    %get3A_1 = vector.load %arg1[%get3A, %get3A_0] : memref<128x8192xf32, #tpu.memory_space<vmem>>, vector<128x8192xf32>
    %get3A_2 = arith.constant 0 : index
    %get3A_3 = arith.constant 0 : index
    %get3A_4 = vector.load %arg2[%get3A_2, %get3A_3] : memref<128x256xf32, #tpu.memory_space<vmem>>, vector<128x256xf32>
    %get3A_5 = arith.constant 0 : index
    %get3A_6 = arith.constant 0 : index
    %get3A_7 = vector.load %arg6[%get3A_5, %get3A_6] : memref<16x512xf32, #tpu.memory_space<vmem>>, vector<16x512xf32>
    %slice3A = vector.extract_strided_slice %get3A_4 {offsets = [0, 0], sizes = [128, 16], strides = [1, 1]} : vector<128x256xf32> to vector<128x16xf32>
    %dot_general3A = arith.constant dense<0.000000e+00> : vector<128x512xf32>
    %dot_general3A_8 = tpu.matmul %slice3A, %get3A_7, %dot_general3A {dimension_numbers = #tpu.dot_dimension_numbers<[1], [0], [0], [1], [0, 0, 1, 1], [], []>, transpose_lhs_hint = false} : vector<128x16xf32>, vector<16x512xf32>, vector<128x512xf32> -> vector<128x512xf32>
    %slice3A_9 = vector.extract_strided_slice %get3A_1 {offsets = [0, 0], sizes = [128, 512], strides = [1, 1]} : vector<128x8192xf32> to vector<128x512xf32>
    %mul3A = arith.mulf %slice3A_9, %dot_general3A_8 : vector<128x512xf32>
    %slice3A_10 = vector.extract_strided_slice %get3A_4 {offsets = [0, 16], sizes = [128, 16], strides = [1, 1]} : vector<128x256xf32> to vector<128x16xf32>
    %dot_general3A_11 = arith.constant dense<0.000000e+00> : vector<128x512xf32>
    %dot_general3A_12 = tpu.matmul %slice3A_10, %get3A_7, %dot_general3A_11 {dimension_numbers = #tpu.dot_dimension_numbers<[1], [0], [0], [1], [0, 0, 1, 1], [], []>, transpose_lhs_hint = false} : vector<128x16xf32>, vector<16x512xf32>, vector<128x512xf32> -> vector<128x512xf32>
    %slice3A_13 = vector.extract_strided_slice %get3A_1 {offsets = [0, 512], sizes = [128, 512], strides = [1, 1]} : vector<128x8192xf32> to vector<128x512xf32>
    %mul3A_14 = arith.mulf %slice3A_13, %dot_general3A_12 : vector<128x512xf32>
    %add3A = arith.addf %mul3A, %mul3A_14 : vector<128x512xf32>
    %slice3A_15 = vector.extract_strided_slice %get3A_4 {offsets = [0, 32], sizes = [128, 16], strides = [1, 1]} : vector<128x256xf32> to vector<128x16xf32>
    %dot_general3A_16 = arith.constant dense<0.000000e+00> : vector<128x512xf32>
    %dot_general3A_17 = tpu.matmul %slice3A_15, %get3A_7, %dot_general3A_16 {dimension_numbers = #tpu.dot_dimension_numbers<[1], [0], [0], [1], [0, 0, 1, 1], [], []>, transpose_lhs_hint = false} : vector<128x16xf32>, vector<16x512xf32>, vector<128x512xf32> -> vector<128x512xf32>
    %slice3A_18 = vector.extract_strided_slice %get3A_1 {offsets = [0, 1024], sizes = [128, 512], strides = [1, 1]} : vector<128x8192xf32> to vector<128x512xf32>
    %mul3A_19 = arith.mulf %slice3A_18, %dot_general3A_17 : vector<128x512xf32>
    %add3A_20 = arith.addf %add3A, %mul3A_19 : vector<128x512xf32>
    %slice3A_21 = vector.extract_strided_slice %get3A_4 {offsets = [0, 48], sizes = [128, 16], strides = [1, 1]} : vector<128x256xf32> to vector<128x16xf32>
    %dot_general3A_22 = arith.constant dense<0.000000e+00> : vector<128x512xf32>
    %dot_general3A_23 = tpu.matmul %slice3A_21, %get3A_7, %dot_general3A_22 {dimension_numbers = #tpu.dot_dimension_numbers<[1], [0], [0], [1], [0, 0, 1, 1], [], []>, transpose_lhs_hint = false} : vector<128x16xf32>, vector<16x512xf32>, vector<128x512xf32> -> vector<128x512xf32>
    %slice3A_24 = vector.extract_strided_slice %get3A_1 {offsets = [0, 1536], sizes = [128, 512], strides = [1, 1]} : vector<128x8192xf32> to vector<128x512xf32>
    %mul3A_25 = arith.mulf %slice3A_24, %dot_general3A_23 : vector<128x512xf32>
    %add3A_26 = arith.addf %add3A_20, %mul3A_25 : vector<128x512xf32>
    %slice3A_27 = vector.extract_strided_slice %get3A_4 {offsets = [0, 64], sizes = [128, 16], strides = [1, 1]} : vector<128x256xf32> to vector<128x16xf32>
    %dot_general3A_28 = arith.constant dense<0.000000e+00> : vector<128x512xf32>
    %dot_general3A_29 = tpu.matmul %slice3A_27, %get3A_7, %dot_general3A_28 {dimension_numbers = #tpu.dot_dimension_numbers<[1], [0], [0], [1], [0, 0, 1, 1], [], []>, transpose_lhs_hint = false} : vector<128x16xf32>, vector<16x512xf32>, vector<128x512xf32> -> vector<128x512xf32>
    %slice3A_30 = vector.extract_strided_slice %get3A_1 {offsets = [0, 2048], sizes = [128, 512], strides = [1, 1]} : vector<128x8192xf32> to vector<128x512xf32>
    %mul3A_31 = arith.mulf %slice3A_30, %dot_general3A_29 : vector<128x512xf32>
    %add3A_32 = arith.addf %add3A_26, %mul3A_31 : vector<128x512xf32>
    %slice3A_33 = vector.extract_strided_slice %get3A_4 {offsets = [0, 80], sizes = [128, 16], strides = [1, 1]} : vector<128x256xf32> to vector<128x16xf32>
    %dot_general3A_34 = arith.constant dense<0.000000e+00> : vector<128x512xf32>
    %dot_general3A_35 = tpu.matmul %slice3A_33, %get3A_7, %dot_general3A_34 {dimension_numbers = #tpu.dot_dimension_numbers<[1], [0], [0], [1], [0, 0, 1, 1], [], []>, transpose_lhs_hint = false} : vector<128x16xf32>, vector<16x512xf32>, vector<128x512xf32> -> vector<128x512xf32>
    %slice3A_36 = vector.extract_strided_slice %get3A_1 {offsets = [0, 2560], sizes = [128, 512], strides = [1, 1]} : vector<128x8192xf32> to vector<128x512xf32>
    %mul3A_37 = arith.mulf %slice3A_36, %dot_general3A_35 : vector<128x512xf32>
    %add3A_38 = arith.addf %add3A_32, %mul3A_37 : vector<128x512xf32>
    %slice3A_39 = vector.extract_strided_slice %get3A_4 {offsets = [0, 96], sizes = [128, 16], strides = [1, 1]} : vector<128x256xf32> to vector<128x16xf32>
    %dot_general3A_40 = arith.constant dense<0.000000e+00> : vector<128x512xf32>
    %dot_general3A_41 = tpu.matmul %slice3A_39, %get3A_7, %dot_general3A_40 {dimension_numbers = #tpu.dot_dimension_numbers<[1], [0], [0], [1], [0, 0, 1, 1], [], []>, transpose_lhs_hint = false} : vector<128x16xf32>, vector<16x512xf32>, vector<128x512xf32> -> vector<128x512xf32>
    %slice3A_42 = vector.extract_strided_slice %get3A_1 {offsets = [0, 3072], sizes = [128, 512], strides = [1, 1]} : vector<128x8192xf32> to vector<128x512xf32>
    %mul3A_43 = arith.mulf %slice3A_42, %dot_general3A_41 : vector<128x512xf32>
    %add3A_44 = arith.addf %add3A_38, %mul3A_43 : vector<128x512xf32>
    %slice3A_45 = vector.extract_strided_slice %get3A_4 {offsets = [0, 112], sizes = [128, 16], strides = [1, 1]} : vector<128x256xf32> to vector<128x16xf32>
    %dot_general3A_46 = arith.constant dense<0.000000e+00> : vector<128x512xf32>
    %dot_general3A_47 = tpu.matmul %slice3A_45, %get3A_7, %dot_general3A_46 {dimension_numbers = #tpu.dot_dimension_numbers<[1], [0], [0], [1], [0, 0, 1, 1], [], []>, transpose_lhs_hint = false} : vector<128x16xf32>, vector<16x512xf32>, vector<128x512xf32> -> vector<128x512xf32>
    %slice3A_48 = vector.extract_strided_slice %get3A_1 {offsets = [0, 3584], sizes = [128, 512], strides = [1, 1]} : vector<128x8192xf32> to vector<128x512xf32>
    %mul3A_49 = arith.mulf %slice3A_48, %dot_general3A_47 : vector<128x512xf32>
    %add3A_50 = arith.addf %add3A_44, %mul3A_49 : vector<128x512xf32>
    %slice3A_51 = vector.extract_strided_slice %get3A_4 {offsets = [0, 128], sizes = [128, 16], strides = [1, 1]} : vector<128x256xf32> to vector<128x16xf32>
    %dot_general3A_52 = arith.constant dense<0.000000e+00> : vector<128x512xf32>
    %dot_general3A_53 = tpu.matmul %slice3A_51, %get3A_7, %dot_general3A_52 {dimension_numbers = #tpu.dot_dimension_numbers<[1], [0], [0], [1], [0, 0, 1, 1], [], []>, transpose_lhs_hint = false} : vector<128x16xf32>, vector<16x512xf32>, vector<128x512xf32> -> vector<128x512xf32>
    %slice3A_54 = vector.extract_strided_slice %get3A_1 {offsets = [0, 4096], sizes = [128, 512], strides = [1, 1]} : vector<128x8192xf32> to vector<128x512xf32>
    %mul3A_55 = arith.mulf %slice3A_54, %dot_general3A_53 : vector<128x512xf32>
    %add3A_56 = arith.addf %add3A_50, %mul3A_55 : vector<128x512xf32>
    %slice3A_57 = vector.extract_strided_slice %get3A_4 {offsets = [0, 144], sizes = [128, 16], strides = [1, 1]} : vector<128x256xf32> to vector<128x16xf32>
    %dot_general3A_58 = arith.constant dense<0.000000e+00> : vector<128x512xf32>
    %dot_general3A_59 = tpu.matmul %slice3A_57, %get3A_7, %dot_general3A_58 {dimension_numbers = #tpu.dot_dimension_numbers<[1], [0], [0], [1], [0, 0, 1, 1], [], []>, transpose_lhs_hint = false} : vector<128x16xf32>, vector<16x512xf32>, vector<128x512xf32> -> vector<128x512xf32>
    %slice3A_60 = vector.extract_strided_slice %get3A_1 {offsets = [0, 4608], sizes = [128, 512], strides = [1, 1]} : vector<128x8192xf32> to vector<128x512xf32>
    %mul3A_61 = arith.mulf %slice3A_60, %dot_general3A_59 : vector<128x512xf32>
    %add3A_62 = arith.addf %add3A_56, %mul3A_61 : vector<128x512xf32>
    %slice3A_63 = vector.extract_strided_slice %get3A_4 {offsets = [0, 160], sizes = [128, 16], strides = [1, 1]} : vector<128x256xf32> to vector<128x16xf32>
    %dot_general3A_64 = arith.constant dense<0.000000e+00> : vector<128x512xf32>
    %dot_general3A_65 = tpu.matmul %slice3A_63, %get3A_7, %dot_general3A_64 {dimension_numbers = #tpu.dot_dimension_numbers<[1], [0], [0], [1], [0, 0, 1, 1], [], []>, transpose_lhs_hint = false} : vector<128x16xf32>, vector<16x512xf32>, vector<128x512xf32> -> vector<128x512xf32>
    %slice3A_66 = vector.extract_strided_slice %get3A_1 {offsets = [0, 5120], sizes = [128, 512], strides = [1, 1]} : vector<128x8192xf32> to vector<128x512xf32>
    %mul3A_67 = arith.mulf %slice3A_66, %dot_general3A_65 : vector<128x512xf32>
    %add3A_68 = arith.addf %add3A_62, %mul3A_67 : vector<128x512xf32>
    %slice3A_69 = vector.extract_strided_slice %get3A_4 {offsets = [0, 176], sizes = [128, 16], strides = [1, 1]} : vector<128x256xf32> to vector<128x16xf32>
    %dot_general3A_70 = arith.constant dense<0.000000e+00> : vector<128x512xf32>
    %dot_general3A_71 = tpu.matmul %slice3A_69, %get3A_7, %dot_general3A_70 {dimension_numbers = #tpu.dot_dimension_numbers<[1], [0], [0], [1], [0, 0, 1, 1], [], []>, transpose_lhs_hint = false} : vector<128x16xf32>, vector<16x512xf32>, vector<128x512xf32> -> vector<128x512xf32>
    %slice3A_72 = vector.extract_strided_slice %get3A_1 {offsets = [0, 5632], sizes = [128, 512], strides = [1, 1]} : vector<128x8192xf32> to vector<128x512xf32>
    %mul3A_73 = arith.mulf %slice3A_72, %dot_general3A_71 : vector<128x512xf32>
    %add3A_74 = arith.addf %add3A_68, %mul3A_73 : vector<128x512xf32>
    %slice3A_75 = vector.extract_strided_slice %get3A_4 {offsets = [0, 192], sizes = [128, 16], strides = [1, 1]} : vector<128x256xf32> to vector<128x16xf32>
    %dot_general3A_76 = arith.constant dense<0.000000e+00> : vector<128x512xf32>
    %dot_general3A_77 = tpu.matmul %slice3A_75, %get3A_7, %dot_general3A_76 {dimension_numbers = #tpu.dot_dimension_numbers<[1], [0], [0], [1], [0, 0, 1, 1], [], []>, transpose_lhs_hint = false} : vector<128x16xf32>, vector<16x512xf32>, vector<128x512xf32> -> vector<128x512xf32>
    %slice3A_78 = vector.extract_strided_slice %get3A_1 {offsets = [0, 6144], sizes = [128, 512], strides = [1, 1]} : vector<128x8192xf32> to vector<128x512xf32>
    %mul3A_79 = arith.mulf %slice3A_78, %dot_general3A_77 : vector<128x512xf32>
    %add3A_80 = arith.addf %add3A_74, %mul3A_79 : vector<128x512xf32>
    %slice3A_81 = vector.extract_strided_slice %get3A_4 {offsets = [0, 208], sizes = [128, 16], strides = [1, 1]} : vector<128x256xf32> to vector<128x16xf32>
    %dot_general3A_82 = arith.constant dense<0.000000e+00> : vector<128x512xf32>
    %dot_general3A_83 = tpu.matmul %slice3A_81, %get3A_7, %dot_general3A_82 {dimension_numbers = #tpu.dot_dimension_numbers<[1], [0], [0], [1], [0, 0, 1, 1], [], []>, transpose_lhs_hint = false} : vector<128x16xf32>, vector<16x512xf32>, vector<128x512xf32> -> vector<128x512xf32>
    %slice3A_84 = vector.extract_strided_slice %get3A_1 {offsets = [0, 6656], sizes = [128, 512], strides = [1, 1]} : vector<128x8192xf32> to vector<128x512xf32>
    %mul3A_85 = arith.mulf %slice3A_84, %dot_general3A_83 : vector<128x512xf32>
    %add3A_86 = arith.addf %add3A_80, %mul3A_85 : vector<128x512xf32>
    %slice3A_87 = vector.extract_strided_slice %get3A_4 {offsets = [0, 224], sizes = [128, 16], strides = [1, 1]} : vector<128x256xf32> to vector<128x16xf32>
    %dot_general3A_88 = arith.constant dense<0.000000e+00> : vector<128x512xf32>
    %dot_general3A_89 = tpu.matmul %slice3A_87, %get3A_7, %dot_general3A_88 {dimension_numbers = #tpu.dot_dimension_numbers<[1], [0], [0], [1], [0, 0, 1, 1], [], []>, transpose_lhs_hint = false} : vector<128x16xf32>, vector<16x512xf32>, vector<128x512xf32> -> vector<128x512xf32>
    %slice3A_90 = vector.extract_strided_slice %get3A_1 {offsets = [0, 7168], sizes = [128, 512], strides = [1, 1]} : vector<128x8192xf32> to vector<128x512xf32>
    %mul3A_91 = arith.mulf %slice3A_90, %dot_general3A_89 : vector<128x512xf32>
    %add3A_92 = arith.addf %add3A_86, %mul3A_91 : vector<128x512xf32>
    %slice3A_93 = vector.extract_strided_slice %get3A_4 {offsets = [0, 240], sizes = [128, 16], strides = [1, 1]} : vector<128x256xf32> to vector<128x16xf32>
    %dot_general3A_94 = arith.constant dense<0.000000e+00> : vector<128x512xf32>
    %dot_general3A_95 = tpu.matmul %slice3A_93, %get3A_7, %dot_general3A_94 {dimension_numbers = #tpu.dot_dimension_numbers<[1], [0], [0], [1], [0, 0, 1, 1], [], []>, transpose_lhs_hint = false} : vector<128x16xf32>, vector<16x512xf32>, vector<128x512xf32> -> vector<128x512xf32>
    %slice3A_96 = vector.extract_strided_slice %get3A_1 {offsets = [0, 7680], sizes = [128, 512], strides = [1, 1]} : vector<128x8192xf32> to vector<128x512xf32>
    %mul3A_97 = arith.mulf %slice3A_96, %dot_general3A_95 : vector<128x512xf32>
    %add3A_98 = arith.addf %add3A_92, %mul3A_97 : vector<128x512xf32>
    %slice3A_99 = vector.extract_strided_slice %add3A_98 {offsets = [0, 0], sizes = [128, 256], strides = [1, 1]} : vector<128x512xf32> to vector<128x256xf32>
    %slice3A_100 = vector.extract_strided_slice %add3A_98 {offsets = [0, 256], sizes = [128, 256], strides = [1, 1]} : vector<128x512xf32> to vector<128x256xf32>
    %add3A_101 = arith.addf %slice3A_99, %slice3A_100 : vector<128x256xf32>
    %mul3A_102 = arith.constant 5.000000e-01 : f32
    %mul3A_103 = vector.broadcast %mul3A_102 : f32 to vector<128x256xf32>
    %mul3A_104 = arith.mulf %mul3A_103, %add3A_101 : vector<128x256xf32>
    %get3A_105 = arith.constant 0 : index
    %get3A_106 = arith.constant 0 : index
    %get3A_107 = vector.load %arg4[%get3A_105, %get3A_106] : memref<256x256xf32, #tpu.memory_space<vmem>>, vector<256x256xf32>
    %dot_general3A_108 = arith.constant dense<0.000000e+00> : vector<128x256xf32>
    %dot_general3A_109 = tpu.matmul %mul3A_104, %get3A_107, %dot_general3A_108 {dimension_numbers = #tpu.dot_dimension_numbers<[1], [0], [0], [1], [0, 0, 1, 1], [], []>, transpose_lhs_hint = false} : vector<128x256xf32>, vector<256x256xf32>, vector<128x256xf32> -> vector<128x256xf32>
    %get3A_110 = arith.constant 0 : index
    %get3A_111 = arith.constant 0 : index
    %get3A_112 = vector.load %arg5[%get3A_110, %get3A_111] : memref<1x256xf32, #tpu.memory_space<vmem>>, vector<1x256xf32>
    %add3A_113 = vector.broadcast %get3A_112 : vector<1x256xf32> to vector<128x256xf32>
    %add3A_114 = arith.addf %dot_general3A_109, %add3A_113 : vector<128x256xf32>
    %get3A_115 = arith.constant 0 : index
    %get3A_116 = arith.constant 0 : index
    %get3A_117 = vector.load %arg3[%get3A_115, %get3A_116] : memref<128x256xf32, #tpu.memory_space<vmem>>, vector<128x256xf32>
    %add3A_118 = arith.addf %add3A_114, %get3A_117 : vector<128x256xf32>
    %swap3A = arith.constant 0 : index
    %swap3A_119 = arith.constant 0 : index
    %swap3A_120 = vector.load %arg7[%swap3A, %swap3A_119] : memref<128x256xf32, #tpu.memory_space<vmem>>, vector<128x256xf32>
    tpu.vector_store %arg7[%swap3A, %swap3A_119], %add3A_118 {strides = array<i32>} : memref<128x256xf32, #tpu.memory_space<vmem>>, vector<128x256xf32>,
    return
  }
  func.func @transform_0(%arg0: i32) -> (i32, i32) {
    %c0_i32 = arith.constant 0 : i32
    %c0_i32_0 = arith.constant 0 : i32
    return %arg0, %c0_i32 : i32, i32
  }
  func.func @transform_1(%arg0: i32) -> (i32, i32) {
    %c0_i32 = arith.constant 0 : i32
    %c0_i32_0 = arith.constant 0 : i32
    return %arg0, %c0_i32 : i32, i32
  }
  func.func @transform_2(%arg0: i32) -> (i32, i32) {
    %c0_i32 = arith.constant 0 : i32
    %c0_i32_0 = arith.constant 0 : i32
    return %arg0, %c0_i32 : i32, i32
  }
  func.func @transform_3(%arg0: i32) -> (i32, i32) {
    %c0_i32 = arith.constant 0 : i32
    %c0_i32_0 = arith.constant 0 : i32
    %c0_i32_1 = arith.constant 0 : i32
    return %c0_i32, %c0_i32_0 : i32, i32
  }
  func.func @transform_4(%arg0: i32) -> (i32, i32) {
    %c0_i32 = arith.constant 0 : i32
    %c0_i32_0 = arith.constant 0 : i32
    %c0_i32_1 = arith.constant 0 : i32
    return %c0_i32, %c0_i32_0 : i32, i32
  }
  func.func @transform_5(%arg0: i32) -> (i32, i32) {
    %c0_i32 = arith.constant 0 : i32
    %c0_i32_0 = arith.constant 0 : i32
    %c0_i32_1 = arith.constant 0 : i32
    return %c0_i32, %c0_i32_0 : i32, i32
  }
  func.func @transform_6(%arg0: i32) -> (i32, i32) {
    %c0_i32 = arith.constant 0 : i32
    %c0_i32_0 = arith.constant 0 : i32
    return %arg0, %c0_i32 : i32, i32
  }
}

</mosaic_0001>

<sc_bundles>
// kernel: kernel.6.cloned.1.call-start
scs
__scs_entry_jumppad:
0x0: {  	(pc) =	sbr.rel $0x88, $3  }
0x1: {  	(tag) =	ssettag $0x0;
	lr =	simm.s32 $0x1  }
0x2: {  	[smem:$0x3F96] =	sst lr;
	_ =	strace $0xD0000000  }
0x3: {  	_ = 	snop  }
0x4: {  	_ = 	snop  }
0x5: {  	_ = 	snop  }
0x6: {  	_ = 	snop  }
0x7: {  	_ = 	snop  }
__scs_overlays_trampoline_lowered:
0x8: {  	[smem:$0x3FA5] =	sst s0  }
0x9: {  	[smem:$0x3FA6] =	sst s1  }
0xa: {  	[smem:$0x3FA7] =	sst s2  }
0xb: {  	[smem:$0x3FA8] =	sst s3  }
0xc: {  	[smem:$0x3FA9] =	sst s4  }
0xd: {  	[smem:$0x3FAA] =	sst s5  }
0xe: {  	[smem:$0x3FAB] =	sst s6  }
0xf: {  	[smem:$0x3FAC] =	sst s7  }
0x10: {  	[smem:$0x3FAD] =	sst s8  }
0x11: {  	[smem:$0x3FAE] =	sst s9;
	s0 =	simm.s32 @!p0 $0x0  }
0x12: {  	s1 =	sld [smem:$0x3F94];
	s0 =	simm.s32 @p0 $0x1  }
0x13: {  	[smem:$0x3FAF] =	sst s0;
	s0 =	simm.s32 @!p1 $0x0  }
0x14: {  	s2 =	sld [smem:$0x3F93];
	s0 =	simm.s32 @p1 $0x1  }
0x15: {  	[smem:$0x3FB0] =	sst s0;
	s0 =	simm.s32 @!p2 $0x0  }
0x16: {  	s3 =	sld [smem:$0x3FDB];
	s0 =	simm.s32 @p2 $0x1  }
0x17: {  	s4 =	simm.s32 $0x1BF5;
	[smem:$0x3FB2] =	sst s0  }
0x18: {  	s0 =	sld [smem:$0x3F95];
	_ =	swait.ge [sflag:s4], $0x0  }
0x19: {  	s7 =	sld [smem:$0x3F96]  }
0x1a: {  	s8 =	sadd.s32 $0xFFFFE003, lr  }
0x1b: {  	s9 =	sadd.s32 $0xFFFFFEF7, lr;
	s5 =	simm.s32 $0xFFFFFFFF;
	p2 =	slt.u32 s8, $0xFFFFF086  }
0x1c: {  	p1 =	slt.u32 s9, $0xF7A;
	s5 =	simm.s32 @!p2 $0x0  }
0x1d: {  	s5 =	simm.s32 @p1 $0x1;
	p0 =	seq.s32 s7, s2  }
0x1e: {  	s7 =	smul.u32 @!p0 $0xF7A, s2;
	p2 =	seq.s32 @!p0 s5, $0x0  }
0x1f: {  	s9 =	smul.u32 $0xF7A, s1;
	s8 =	simm.s32 @!p0 $0x1BF5;
	p2 =	por !p2, p0  }
0x20: {  	[sflag:s8] =	ssyncset.s32 @!p0 $0xFFFFF086;
	s6 =	sadd.s32 @!p0 s3, s7;
	s7 =	simm.s32 @!p0 $0x108  }
0x21: {  	s3 =	sadd.s32 s3, s9;
	s6 =	sadd.s32 @!p0 $0x88, s6;
	s7 =	simm.s32 @p2 $0x1082  }
0x22: {  	[simem:s7], [sflag:s8] =	dma.local @!p0 [hbm:s6], $0xF7A  }
0x23: {  	s9 =	sor.u32 $0xD0000000, s2;
	s6 =	simm.s32 $0x108;
	_ =	swait.ge @!p0 [sflag:s8], $0x0  }
0x24: {  	s3 =	sadd.s32 $0x88, s3;
	s6 =	simm.s32 @!p1 $0x1082;
	[sflag:s4] =	ssyncset.s32 $0xFFFFF086  }
0x25: {  	[simem:s6], [sflag:s4] =	dma.local [hbm:s3], $0xF7A  }
0x26: {  	[smem:$0x3F96] =	sst s1;
	(tag) =	ssettag s2;
	_ =	strace s9  }
0x27: {  	s1 =	sld [smem:$0x3FA6]  }
0x28: {  	s2 =	sld [smem:$0x3FA7]  }
0x29: {  	s4 =	sld [smem:$0x3FA9]  }
0x2a: {  	p0 =	seq.s32 s5, $0x0;
	s5 =	sld [smem:$0x3FAA]  }
0x2b: {  	s6 =	sld [smem:$0x3FAB]  }
0x2c: {  	s7 =	sld [smem:$0x3FAC]  }
0x2d: {  	s3 =	simm.s32 $0x108;
	s8 =	sld [smem:$0x3FAD]  }
0x2e: {  	s3 =	simm.s32 @!p0 $0x1082;
	s9 =	sld [smem:$0x3FAE]  }
0x2f: {  	lr =	sadd.s32 s0, s3;
	s0 =	sld [smem:$0x3FA5]  }
0x30: {  	s3 =	sld [smem:$0x3FA8]  }
0x31: {  	[smem:$0x3FB1] =	sst s10  }
0x32: {  	s10 =	sld [smem:$0x3FAF];
	_ =	sdelay $0x3  }
0x33: {  	p0 =	seq.s32 s10, $0x1;
	s10 =	sld [smem:$0x3FB1];
	_ =	sdelay $0x3  }
0x34: {  	[smem:$0x3FB1] =	sst s10  }
0x35: {  	s10 =	sld [smem:$0x3FB0];
	_ =	sdelay $0x3  }
0x36: {  	p1 =	seq.s32 s10, $0x1;
	s10 =	sld [smem:$0x3FB1];
	_ =	sdelay $0x3  }
0x37: {  	[smem:$0x3FB1] =	sst s10  }
0x38: {  	s10 =	sld [smem:$0x3FB2]  }
0x39: {  	_ = 	snop;
	(pc) =	sbr.ind lr, $3  }
0x3a: {  	_ = 	snop  }
0x3b: {  	_ = 	snop  }
0x3c: {  	p2 =	seq.s32 s10, $0x1;
	s10 =	sld [smem:$0x3FB1]  }
0x3d: {  	_ =	shalt  }
0x3e: {  	_ =	shalt  }
0x3f: {  	_ =	shalt  }
0x40: {  	_ =	shalt  }
0x41: {  	_ =	shalt  }
0x42: {  	_ =	shalt  }
0x43: {  	_ =	shalt  }
0x44: {  	_ =	shalt  }
0x45: {  	_ =	shalt  }
0x46: {  	_ =	shalt  }
0x47: {  	_ =	shalt  }
0x48: {  	_ =	shalt  }
0x49: {  	_ =	shalt  }
0x4a: {  	_ =	shalt  }
0x4b: {  	_ =	shalt  }
0x4c: {  	_ =	shalt  }
0x4d: {  	_ =	shalt  }
0x4e: {  	_ =	shalt  }
0x4f: {  	_ =	shalt  }
0x50: {  	_ =	shalt  }
0x51: {  	_ =	shalt  }
0x52: {  	_ =	shalt  }
0x53: {  	_ =	shalt  }
0x54: {  	_ =	shalt  }
0x55: {  	_ =	shalt  }
0x56: {  	_ =	shalt  }
0x57: {  	_ =	shalt  }
0x58: {  	_ =	shalt  }
0x59: {  	_ =	shalt  }
0x5a: {  	_ =	shalt  }
0x5b: {  	_ =	shalt  }
0x5c: {  	_ =	shalt  }
0x5d: {  	_ =	shalt  }
0x5e: {  	_ =	shalt  }
0x5f: {  	_ =	shalt  }
0x60: {  	_ =	shalt  }
0x61: {  	_ =	shalt  }
0x62: {  	_ =	shalt  }
0x63: {  	_ =	shalt  }
0x64: {  	_ =	shalt  }
0x65: {  	_ =	shalt  }
0x66: {  	_ =	shalt  }
0x67: {  	_ =	shalt  }
0x68: {  	_ =	shalt  }
0x69: {  	_ =	shalt  }
0x6a: {  	_ =	shalt  }
0x6b: {  	_ =	shalt  }
0x6c: {  	_ =	shalt  }
0x6d: {  	_ =	shalt  }
0x6e: {  	_ =	shalt  }
0x6f: {  	_ =	shalt  }
0x70: {  	_ =	shalt  }
0x71: {  	_ =	shalt  }
0x72: {  	_ =	shalt  }
0x73: {  	_ =	shalt  }
0x74: {  	_ =	shalt  }
0x75: {  	_ =	shalt  }
0x76: {  	_ =	shalt  }
0x77: {  	_ =	shalt  }
0x78: {  	_ =	shalt  }
0x79: {  	_ =	shalt  }
0x7a: {  	_ =	shalt  }
0x7b: {  	_ =	shalt  }
0x7c: {  	_ =	shalt  }
0x7d: {  	_ =	shalt  }
0x7e: {  	_ =	shalt  }
0x7f: {  	_ =	shalt  }
0x80: {  	_ =	shalt  }
0x81: {  	_ =	shalt  }
0x82: {  	_ =	shalt  }
0x83: {  	_ =	shalt  }
0x84: {  	_ =	shalt  }
0x85: {  	_ =	shalt  }
0x86: {  	_ =	shalt  }
0x87: {  	_ =	shalt  }
.Lfunc_end0:
.L_simem_size_0:
called_computation.1_lowered:
.L_overlay_start_0:
0x88: {  	s2 =	sld [smem:$0x3FD9]  }
0x89: {  	s3 =	sld [smem:$0x3FFE];
	_ =	sdelay $0x1  }
0x8a: {  	s1 =	srdreg.scid  }
0x8b: {  	s0 =	sand.u32 $0x1, s1  }
0x8c: {  	s16 =	sshll.u32 s0, $0xA;
	s2 =	sadd.s32 s3, s2  }
0x8d: {  	s2 =	sadd.s32 s2, s16  }
0x8e: {  	[smem:$0x3FBD] =	sst s2  }
0x8f: {  	_ = 	snop  }
0x90: {  	(tm) =	ssettm $0x1  }
0x91: {  	s17 =	sld [smem:$0x3FFB];
	_ =	sdelay $0x3  }
0x92: {  	_ =	strace s17  }
0x93: {  	s2 =	sld [smem:$0x3FFC];
	_ =	sdelay $0x3  }
0x94: {  	_ =	strace s2  }
0x95: {  	s2 =	sld [smem:$0x3FFD];
	_ =	sdelay $0x3  }
0x96: {  	_ =	strace s2  }
0x97: {  	_ =	strace $0x8FFFFFFF  }
0x98: {  	s18 =	sld [smem:$0x3FDB];
	_ =	sdelay $0x1  }
0x99: {  	s19 =	simm.s32 $_scs_section_size  }
0x9a: {  	s4 =	simm.s32 $_size__tile_overlayer_lowered;
	s5 =	simm.s32 $_tile_overlayer_lowered  }
0x9b: {  	s22 =	simm.s32 $0x1BFF;
	s21 =	sshll.u32 s5, $0x1;
	s2 =	sadd.s32 s19, s18  }
0x9c: {  	s6 =	simm.s32 $0x0;
	s20 =	sshll.u32 s4, $0x1;
	s4 =	sadd.s32 s21, s2  }
0x9d: {  	[timem:s6], [sflag:s22] =	dma.local [hbm:s4], s20  }
0x9e: {  	_ =	swait.ge [sflag:s22], s20  }
0x9f: {  	s3 =	ssub.s32 $0x0, s20;
	[sflag:s22] =	ssyncset.done $0x0  }
0xa0: {  	[sflag:s22] =	ssyncadd.s32 s3;
	_ =	sdelay $0x1  }
0xa1: {  	s23 =	simm.s32 $0x1B8B  }
0xa2: {  	_ =	swait.ge [sflag:s23], $0x1  }
0xa3: {  	[sflag:s23] =	ssyncset.done $0x0  }
0xa4: {  	s25 =	simm.s32 $0x1B8E;
	s24 =	sld [smem:$0x3FFE];
	[sflag:s23] =	ssyncadd.s32 $0xFFFFFFFF  }
0xa5: {  	s26 =	simm.s32 $execute0_lowered;
	[smem:$0x3FD2] =	sst s25  }
0xa6: {  	s4 =	sshll.u32 s26, $0x1;
	_ =	strace $0x80000049;
	[dreg:$0x1] =	wrdreg $0xFFFFFFFF  }
0xa7: {  	s28 =	simm.s32 $_size_execute0_lowered;
	s2 =	sadd.s32 s2, s4;
	[dreg:$0x0] =	wrdreg $0x0  }
0xa8: {  	s4 =	sshll.u32 s28, $0x1;
	[dreg:$0x2] =	wrdreg s2  }
0xa9: {  	[dreg:$0x3] =	wrdreg s4  }
0xaa: {  	[dreg:$0x4] =	wrdreg $0xC0  }
0xab: {  	_ =	task [dreg:s6], $0x5FFFF  }
0xac: {  	[dreg:$0x1] =	wrdreg $0xFFFFFFFF  }
0xad: {  	[dreg:$0x0] =	wrdreg $0x60  }
0xae: {  	[dreg:$0x2] =	wrdreg s24  }
0xaf: {  	[dreg:$0x3] =	wrdreg $0x9  }
0xb0: {  	_ =	task.clear_ibuf [dreg:s6], $0x4FFFF;
	_ =	strace $0x90000049  }
0xb1: {  	s29 =	simm.s32 $0x9;
	_ =	strace $0x8000004B  }
0xb2: {  	_ =	swait.ge [sflag:s29], $0x1  }
0xb3: {  	[sflag:s29] =	ssyncadd.s32 $0xFFFFFFFF  }
0xb4: {  	_ =	strace $0x9000004B  }
0xb5: {  	_ =	sfence  }
0xb6: {  	s30 =	sld [smem:$0x0];
	_ =	sdelay $0x2  }
0xb7: {  	s31 =	sshll.u32 s1, $0xD;
	s1 =	sshrl.u32 s1, $0x2  }
0xb8: {  	s3 =	sand.u32 $0x4000, s31;
	s1 =	sadd.s32 s1, s30  }
0xb9: {  	s0 =	sor.u32 s3, s0;
	s1 =	sshll.u32 s1, $0x11  }
0xba: {  	s0 =	sor.u32 s1, s0  }
0xbb: {  	s0 =	sadd.s32 $0x8F2B, s0  }
0xbc: {  	[sflag:s0] =	ssyncadd.remote.s32 $0x1  }
0xbd: {  	_ =	sfence.sel $0xFFFF  }
0xbe: {  	[dreg:$0x0] =	wrdreg $0xFFFFFFFF;
	(pc) =	sbr.abs _section_cstart, $3  }
0xbf: {  	[dreg:$0x1] =	wrdreg $0xFFFFFFFF  }
0xc0: {  	_ =	task.clear_ibuf [dreg:s6], $0x2FFFF;
	_ =	strace $0x9FFFFFFF  }
0xc1: {  	(tm) =	ssettm $0x7FFFFFFF  }
tec
execute0_lowered:
.L_overlay_start_1:
0x0: {  	(tag) =	ssettag $0x1  }
0x1: {  	s5 =	rddreg [dreg:$0x0]  }
0x2: {  	s0 =	rddreg [dreg:$0x1];
	s2 =	simm.s32 $0x0  }
0x3: {  	s3 =	srdreg.scid;
	s1 =	stileid.u32;
	s15 =	simm.s32 $0x2  }
0x4: {  	s16 =	simm.s32 $0x1;
	s17 =	simm.s32 $0x8800;
	s18 =	simm.s32 $0x3  }
0x5: {  	s19 =	simm.s32 $0x0;
	[smem:$0x7FF] =	sst s2;
	s9 =	smul.u32 $0x58000, s1  }
0x6: {  	s8 =	sand.u32 $0x1, s3;
	s3 =	sadd.s32 $0x4D3800, s5;
	s12 =	smul.u32 $0x160000, s1  }
0x7: {  	s30 =	sshll.u32 s1, $0x1;
	s10 =	sadd.s32 $0x633800, s5;
	s11 =	smul.u32 $0x2C000, s8  }
0x8: {  	s4 =	sor.u32 s8, s30;
	s7 =	ssub.s32 $0x2, s8;
	s8 =	smul.u32 $0xB0000, s8  }
0x9: {  	_ =	strace $0x8000004A;
	s6 =	smul.u32 $0x2C000, s4;
	s31 =	sshrl.u32 s7, $0x1  }
0xa: {  	s4 =	sadd.s32 $0x2C3800, s5;
	s12 =	sadd.s32 s12, s10;
	s7 =	ssub.s32 s7, s31  }
0xb: {  	s11 =	sadd.s32 s11, s9;
	s8 =	sadd.s32 s8, s12;
	s12 =	simm.s32 $0x4  }
0xc: {  	s5 =	sadd.s32 $0x2BC00, s6;
	s6 =	sshrl.u32 s6, $0x3;
	s9 =	sor.u32 $0x400, s11  }
0xd: {  	s7 =	smax.u32 s7, $0x1;
	s11 =	sor.u32 $0x800, s11;
	s13 =	sshll.u32 s9, $0x2  }
0xe: {  	s6 =	sadd.s32 s4, s6;
	s14 =	sshrl.u32 s9, $0x3;
	s9 =	sadd.s32 s13, s10  }
0xf: {  	s10 =	sadd.s32 s14, s4;
	s13 =	simm.s32 $0x400;
	s14 =	simm.s32 $0x800  }
.LBB2_1:
0x10: {  	[tilespmem:s2], [sflag:$0x4] =	stream.linear.gather [hbm4b:s6+s2], $0x400, $0x38;
	[tilespmem:$0x10800] =	vst v63  }
0x11: {  	_ =	swait.ge [sflag:s12], $0x400  }
0x12: {  	[sflag:s12] =	ssyncset.done $0x0  }
0x13: {  	[sflag:s12] =	ssyncadd.s32 $0xFFFFFC00  }
0x14: {  	[tilespmem:s13], [sflag:$0x1] =	stream.linear.gather [hbm4b:s10+s2], $0x400, $0x38;
	[tilespmem:$0x10800] =	vst v63  }
0x15: {  	_ = 	snop  }
0x16: {  	[tilespmem:s14], [sflag:$0x2] =	stream.indirect.gather [hbm4b:s3+s13], $0x20, s2, s13, $0xb8;
	[tilespmem:$0x10800] =	vst v63  }
0x17: {  	_ =	swait.ge [sflag:s15], $0x8000  }
0x18: {  	[sflag:s15] =	ssyncset.done $0x0  }
0x19: {  	s20 =	sadd.s32 $0x0, s8;
	[sflag:s15] =	ssyncadd.s32 $0xFFFF8000  }
0x1a: {  	[hbm4b:s20+s2] =	stream.linear.scatter [tilespmem:s14], [sflag:$0x3], $0x8000, $0x38;
	[tilespmem:$0x10800] =	vst v63  }
0x1b: {  	p0 =	slt.s32 s11, s5;
	s20 =	smov.u32 s5  }
0x1c: {  	_ =	swait.ge [sflag:s16], $0x400;
	s20 =	smov.u32 @p0 s11  }
0x1d: {  	[sflag:s16] =	ssyncset.done $0x0;
	s20 =	sshrl.u32 s20, $0x3  }
0x1e: {  	[sflag:s16] =	ssyncadd.s32 $0xFFFFFC00;
	s20 =	sadd.s32 s4, s20  }
0x1f: {  	[tilespmem:s2], [sflag:$0x1] =	stream.linear.gather [hbm4b:s20+s2], $0x400, $0x38;
	[tilespmem:$0x10800] =	vst v63  }
0x20: {  	_ = 	snop  }
0x21: {  	[tilespmem:s17], [sflag:$0x2] =	stream.indirect.gather [hbm4b:s3+s13], $0x20, s13, s13, $0xb8;
	[tilespmem:$0x10800] =	vst v63  }
0x22: {  	_ =	swait.ge [sflag:s15], $0x8000  }
0x23: {  	[sflag:s15] =	ssyncset.done $0x0  }
0x24: {  	s31 =	sadd.s32 $0x0, s9;
	[sflag:s15] =	ssyncadd.s32 $0xFFFF8000  }
0x25: {  	[hbm4b:s31+s2] =	stream.linear.scatter [tilespmem:s17], [sflag:$0x4], $0x8000, $0x38;
	[tilespmem:$0x10800] =	vst v63  }
0x26: {  	_ =	swait.ge [sflag:s12], $0x8000  }
0x27: {  	[sflag:s12] =	ssyncset.done $0x0  }
0x28: {  	[sflag:s12] =	ssyncadd.s32 $0xFFFF8000  }
0x29: {  	_ =	swait.ge [sflag:s18], $0x8000  }
0x2a: {  	[sflag:s18] =	ssyncset.done $0x0  }
0x2b: {  	[sflag:s18] =	ssyncadd.s32 $0xFFFF8000  }
0x2c: {  	s21 =	smov.u32 s10;
	_ =	swait.ge [sflag:s16], $0x400  }
0x2d: {  	s22 =	smov.u32 s11;
	s20 =	simm.s32 $0x2000;
	[sflag:s16] =	ssyncset.done $0x0  }
.LBB2_2:
0x2e: {  	[sflag:s16] =	ssyncadd.s32 $0xFFFFFC00;
	s21 =	sadd.s32 $0x100, s21;
	s22 =	sadd.s32 $0x800, s22  }
0x2f: {  	[tilespmem:s13], [sflag:$0x1] =	stream.linear.gather [hbm4b:s21+s2], $0x400, $0x38;
	[tilespmem:$0x10800] =	vst v63  }
0x30: {  	p0 =	sne.s32 s20, $0xAE000;
	s23 =	smov.u32 s20;
	s20 =	sadd.s32 $0x2000, s20  }
0x31: {  	[tilespmem:s14], [sflag:$0x2] =	stream.indirect.gather [hbm4b:s3+s13], $0x20, s2, s13, $0xb8;
	[tilespmem:$0x10800] =	vst v63  }
0x32: {  	_ =	swait.ge [sflag:s15], $0x8000  }
0x33: {  	[sflag:s15] =	ssyncset.done $0x0  }
0x34: {  	s24 =	sadd.s32 s23, s8;
	p1 =	slt.s32 s22, s5;
	[sflag:s15] =	ssyncadd.s32 $0xFFFF8000  }
0x35: {  	[hbm4b:s24+s2] =	stream.linear.scatter [tilespmem:s14], [sflag:$0x3], $0x8000, $0x38;
	[tilespmem:$0x10800] =	vst v63  }
0x36: {  	s24 =	smov.u32 s5  }
0x37: {  	_ =	swait.ge [sflag:s16], $0x400;
	s24 =	smov.u32 @p1 s22  }
0x38: {  	[sflag:s16] =	ssyncset.done $0x0;
	s24 =	sshrl.u32 s24, $0x3  }
0x39: {  	[sflag:s16] =	ssyncadd.s32 $0xFFFFFC00;
	s24 =	sadd.s32 s4, s24  }
0x3a: {  	[tilespmem:s2], [sflag:$0x1] =	stream.linear.gather [hbm4b:s24+s2], $0x400, $0x38;
	[tilespmem:$0x10800] =	vst v63  }
0x3b: {  	_ = 	snop  }
0x3c: {  	[tilespmem:s17], [sflag:$0x2] =	stream.indirect.gather [hbm4b:s3+s13], $0x20, s13, s13, $0xb8;
	[tilespmem:$0x10800] =	vst v63  }
0x3d: {  	_ =	swait.ge [sflag:s15], $0x8000  }
0x3e: {  	[sflag:s15] =	ssyncset.done $0x0  }
0x3f: {  	s23 =	sadd.s32 s23, s9;
	[sflag:s15] =	ssyncadd.s32 $0xFFFF8000  }
0x40: {  	[hbm4b:s23+s2] =	stream.linear.scatter [tilespmem:s17], [sflag:$0x4], $0x8000, $0x38;
	[tilespmem:$0x10800] =	vst v63  }
0x41: {  	_ =	swait.ge [sflag:s12], $0x8000  }
0x42: {  	[sflag:s12] =	ssyncset.done $0x0  }
0x43: {  	[sflag:s12] =	ssyncadd.s32 $0xFFFF8000  }
.Ltmp0:
0x44: {  	_ =	swait.ge [sflag:s18], $0x8000;
	(pc) =	sbr.rel @p0 .LBB2_2-.Ltmp0, $4  }
0x45: {  	[sflag:s18] =	ssyncset.done $0x0  }
0x46: {  	[sflag:s18] =	ssyncadd.s32 $0xFFFF8000  }
0x47: {  	_ =	swait.ge [sflag:s16], $0x400  }
0x48: {  	[sflag:s16] =	ssyncset.done $0x0  }
0x49: {  	s19 =	sadd.s32 $0x1, s19  }
0x4a: {  	p0 =	sne.s32 s19, s7  }
.Ltmp1:
0x4b: {  	_ = 	snop;
	(pc) =	sbr.rel @p0 .LBB2_1-.Ltmp1, $2  }
0x4c: {  	_ =	sdelay $0x2  }
0x4d: {  	[sflag:s16] =	ssyncadd.s32 $0xFFFFFC00  }
0x4e: {  	_ =	sfence.sel $0x180000  }
0x4f: {  	[bflag:$0x0] =	sbarrier.arrive $0xFFFF  }
0x50: {  	p0 =	sne.s32 s1, $0x0;
	_ =	strace $0x9000004A  }
0x51: {  	s0 =	sadd.s32 @!p0 $0x100000, s0;
	[bflag:$0x2] =	sbarrier.arrive $0xFFFF  }
0x52: {  	[sflag:s0] =	ssyncadd.tile.s32 @!p0 $0x1;
	_ =	shalt  }
.Lfunc_end2:
_tile_overlayer_lowered:
.L_overlay_start_2:
0x53: {  	(tag) =	ssettag $0x2  }
0x54: {  	s0 =	rddreg [dreg:$0x0];
	s2 =	stileid.u32  }
0x55: {  	s1 =	rddreg [dreg:$0x1];
	p0 =	sne.s32 s2, $0x0  }
0x56: {  	s3 =	rddreg [dreg:$0x2];
	[bflag:$0x3] =	sbarrier.arrive $0xFFFF;
	s2 =	simm.s32 @!p0 $0x1C04  }
0x57: {  	[timem:s3], [sflag:s2] =	dma.local @!p0 [hbm:s0], s1  }
0x58: {  	s0 =	simm.s32 @!p0 $0x4  }
0x59: {  	_ =	swait.ge @!p0 [sflag:s0], s1  }
0x5a: {  	s1 =	ssub.s32 @!p0 $0x0, s1;
	[sflag:s0] =	ssyncset.done @!p0 $0x0  }
0x5b: {  	[sflag:s0] =	ssyncadd.s32 @!p0 s1  }
0x5c: {  	[bflag:$0x3] =	sbarrier.arrive $0xFFFF  }
0x5d: {  	_ =	shalt  }

// kernel: sparse-core-data-format-call.cloned.1.call-start
scs
called_computation_lowered:
.L_overlay_start_0:
0x0: {  	s2 =	sld [smem:$0x3FD9]  }
0x1: {  	s3 =	sld [smem:$0x3FFE];
	_ =	sdelay $0x1  }
0x2: {  	s1 =	srdreg.scid  }
0x3: {  	s0 =	sand.u32 $0x1, s1  }
0x4: {  	s18 =	sshll.u32 s0, $0xA;
	s2 =	sadd.s32 s3, s2  }
0x5: {  	s2 =	sadd.s32 s2, s18  }
0x6: {  	[smem:$0x3FBD] =	sst s2  }
0x7: {  	_ = 	snop  }
0x8: {  	s2 =	sld [smem:$0x3FC8];
	(tm) =	ssettm $0x1  }
0x9: {  	s19 =	sld [smem:$0x3FFB];
	_ =	sdelay $0x3  }
0xa: {  	_ =	strace s19  }
0xb: {  	s3 =	sld [smem:$0x3FFC];
	_ =	sdelay $0x3  }
0xc: {  	_ =	strace s3  }
0xd: {  	s3 =	sld [smem:$0x3FFD];
	_ =	sdelay $0x3  }
0xe: {  	_ =	strace s3  }
0xf: {  	_ =	strace $0x8FFFFFFF  }
0x10: {  	s20 =	sld [smem:$0x3FDB];
	_ =	sdelay $0x1  }
0x11: {  	s4 =	simm.s32 $_scs_section_size  }
0x12: {  	s5 =	simm.s32 $_size__tile_overlayer_lowered;
	s6 =	simm.s32 $_tile_overlayer_lowered  }
0x13: {  	s23 =	simm.s32 $0x1BFF;
	s22 =	sshll.u32 s6, $0x1;
	s3 =	sadd.s32 s4, s20  }
0x14: {  	s7 =	simm.s32 $0x0;
	s21 =	sshll.u32 s5, $0x1;
	s5 =	sadd.s32 s22, s3  }
0x15: {  	[timem:s7], [sflag:s23] =	dma.local [hbm:s5], s21  }
0x16: {  	_ =	swait.ge [sflag:s23], s21  }
0x17: {  	s4 =	ssub.s32 $0x0, s21;
	[sflag:s23] =	ssyncset.done $0x0  }
0x18: {  	[sflag:s23] =	ssyncadd.s32 s4;
	_ =	sdelay $0x1  }
0x19: {  	s24 =	simm.s32 $0x1B8B  }
0x1a: {  	_ =	swait.ge [sflag:s24], $0x1  }
0x1b: {  	[sflag:s24] =	ssyncset.done $0x0  }
0x1c: {  	s26 =	simm.s32 $0x1B8E;
	s25 =	sld [smem:$0x3FFE];
	[sflag:s24] =	ssyncadd.s32 $0xFFFFFFFF  }
0x1d: {  	s27 =	simm.s32 $execute0_lowered;
	[smem:$0x3FD2] =	sst s26  }
0x1e: {  	s5 =	sshll.u32 s27, $0x1;
	_ =	strace $0x80000046;
	[dreg:$0x1] =	wrdreg $0xFFFFFFFF  }
0x1f: {  	s28 =	simm.s32 $_size_execute0_lowered;
	s3 =	sadd.s32 s3, s5;
	[dreg:$0x0] =	wrdreg $0x0  }
0x20: {  	s5 =	sshll.u32 s28, $0x1;
	[dreg:$0x2] =	wrdreg s3  }
0x21: {  	[dreg:$0x3] =	wrdreg s5  }
0x22: {  	[dreg:$0x4] =	wrdreg $0xC0  }
0x23: {  	_ =	task [dreg:s7], $0x5FFFF  }
0x24: {  	[dreg:$0x1] =	wrdreg $0xFFFFFFFF  }
0x25: {  	[dreg:$0x0] =	wrdreg $0x60  }
0x26: {  	[dreg:$0x2] =	wrdreg s2  }
0x27: {  	[dreg:$0x3] =	wrdreg s25  }
0x28: {  	[dreg:$0x4] =	wrdreg $0x9  }
0x29: {  	_ =	task.clear_ibuf [dreg:s7], $0x5FFFF;
	_ =	strace $0x90000046  }
0x2a: {  	s29 =	simm.s32 $0x9;
	_ =	strace $0x80000048  }
0x2b: {  	_ =	swait.ge [sflag:s29], $0x1  }
0x2c: {  	[sflag:s29] =	ssyncadd.s32 $0xFFFFFFFF  }
0x2d: {  	_ =	strace $0x90000048  }
0x2e: {  	_ =	sfence  }
0x2f: {  	s30 =	sld [smem:$0x0];
	_ =	sdelay $0x2  }
0x30: {  	s31 =	sshll.u32 s1, $0xD;
	s1 =	sshrl.u32 s1, $0x2  }
0x31: {  	s3 =	sand.u32 $0x4000, s31;
	s1 =	sadd.s32 s1, s30  }
0x32: {  	s0 =	sor.u32 s3, s0;
	s1 =	sshll.u32 s1, $0x11  }
0x33: {  	s0 =	sor.u32 s1, s0  }
0x34: {  	s0 =	sadd.s32 $0x8F2B, s0  }
0x35: {  	[sflag:s0] =	ssyncadd.remote.s32 $0x1  }
0x36: {  	_ =	sfence.sel $0xFFFF  }
0x37: {  	[dreg:$0x0] =	wrdreg $0xFFFFFFFF;
	(pc) =	sbr.abs _section_cstart, $3  }
0x38: {  	[dreg:$0x1] =	wrdreg $0xFFFFFFFF  }
0x39: {  	_ =	task.clear_ibuf [dreg:s7], $0x2FFFF;
	_ =	strace $0x9FFFFFFF  }
0x3a: {  	(tm) =	ssettm $0x7FFFFFFF  }
0x3b: {  	_ =	shalt  }
tec
execute0_lowered:
.L_overlay_start_1:
0x0: {  	(tag) =	ssettag $0x1  }
0x1: {  	s0 =	stileid.u32;
	s4 =	rddreg [dreg:$0x0]  }
0x2: {  	s6 =	rddreg [dreg:$0x1];
	s28 =	srdreg.scid  }
0x3: {  	s31 =	simm.s32 $0x2;
	s18 =	simm.s32 $0x0;
	p0 =	por $0x0, $0x0  }
0x4: {  	s10 =	simm.s32 $0x800;
	s19 =	simm.s32 $0x0;
	s2 =	sshll.u32 s0, $0x6  }
0x5: {  	s20 =	simm.s32 $0x0;
	s1 =	sand.u32 $0x1, s0;
	s3 =	sand.u32 $0x80, s2  }
0x6: {  	s11 =	simm.s32 $0x0;
	s27 =	ssub.s32 $0x2, s1;
	s5 =	ssub.s32 $0x100, s3  }
0x7: {  	s12 =	simm.s32 $0x0;
	s7 =	sshrl.u32 s27, $0x1;
	s8 =	sshrl.u32 s5, $0x7  }
0x8: {  	s9 =	sand.u32 $0x1, s27;
	s5 =	sshrl.u32 s5, $0x8;
	s8 =	sand.u32 $0x1, s8  }
0x9: {  	s13 =	simm.s32 $0x0;
	s7 =	sadd.s32 s9, s7;
	s5 =	sadd.s32 s5, s8  }
0xa: {  	s17 =	simm.s32 $0x0;
	s29 =	sshll.u32 s0, $0x5;
	s7 =	smul.u32 s5, s7  }
.Ltmp0:
0xb: {  	s30 =	sshll.u32 s28, $0x9;
	s2 =	rddreg [dreg:$0x2];
	(pc) =	sbr.rel .LBB1_1-.Ltmp0, $4  }
0xc: {  	_ =	strace $0x80000047;
	s16 =	smov.u32 s1;
	s8 =	sor.u32 s29, s30  }
0xd: {  	s5 =	sadd.s32 $0x3E00, s6;
	s6 =	simm.s32 $0x1;
	s7 =	smul.u32 $0x16, s7  }
0xe: {  	s15 =	smov.u32 s3;
	s8 =	sand.u32 $0x380, s8;
	[sflag:s6] =	ssyncpa.u1 $0x0  }
0xf: {  	s14 =	smov.u32 s8;
	[sflag:s31] =	ssyncpa.u1 $0x0;
	s9 =	sor.u32 $0x1, s7  }
.LBB1_4:
0x10: {  	s26 =	sshll.u32 s11, $0x8;
	s27 =	sshll.u32 s12, $0x3;
	s28 =	sshll.u32 s11, $0x7  }
0x11: {  	s25 =	sshra.s32 s25, $0x2;
	s26 =	sand.u32 $0xFFFFF800, s26;
	s27 =	sand.u32 $0xFFFFFC00, s27  }
0x12: {  	p1 =	sgt.s32 s13, $0x1;
	s29 =	sand.u32 $0x300, s28;
	s26 =	sadd.s32 s27, s26  }
0x13: {  	p2 =	sgt.s32 s12, $0x80;
	s31 =	smov.u32 s11;
	s26 =	sor.u32 s29, s26  }
0x14: {  	s24 =	sadd.s32 s25, s24;
	s29 =	sshra.s32 s13, $0x1F;
	s26 =	sshrl.u32 s26, $0x8  }
0x15: {  	s25 =	smov.u32 s13;
	s29 =	sand.u32 s29, s13;
	s30 =	smulhi.u32 $0xBA6161, s26  }
0x16: {  	s28 =	sand.u32 $0x80, s28;
	s25 =	simm.s32 @!p1 $0x1;
	s29 =	sxor.u32 $0xFFFFFFFF, s29  }
0x17: {  	s25 =	sadd.s32 s29, s25;
	s29 =	smov.u32 s12;
	s27 =	sshrl.u32 s30, $0x6  }
0x18: {  	v5 =	vld [tilespmem:s22+$0xFFFFFFD0];
	[tilespmem:s23+$0x2040 ss:$0x81] =	vst.msk $0xffff, v4;
	s30 =	sshra.s32 s12, $0x1F;
	p1 =	sgt.s32 s25, $0x0;
	s29 =	simm.s32 @!p2 $0x80  }
0x19: {  	v58 =	vld [tilespmem:s22+$0xFFFFFFE0];
	[tilespmem:s23+$0x2850 ss:$0x81] =	vst.msk $0xffff, v3;
	p2 =	sgt.s32 s11, $0x5768;
	s25 =	ssub.s32 $0x1, s25;
	s30 =	sand.u32 s30, s12  }
0x1a: {  	v59 =	vld [tilespmem:s22+$0xFFFFFFF0];
	[tilespmem:s23+$0x3060 ss:$0x81] =	vst.msk $0xffff, v2;
	s31 =	simm.s32 @!p2 $0x5768;
	s29 =	ssub.s32 s29, s30;
	s30 =	sshra.s32 s11, $0x1F  }
0x1b: {  	[tilespmem:s23+$0x0 ss:$0x81] =	vst.msk $0xffff, v1;
	v60 =	vld [tilespmem:s22+$0x0];
	s25 =	simm.s32 @p1 $0x0;
	s27 =	smul.u32 $0x57E8, s27;
	s30 =	sand.u32 s30, s11  }
0x1c: {  	v61 =	vld [tilespmem:s22+$0x10];
	[tilespmem:s24+$0x3870 ss:$0x81] =	vst.msk $0xffff, v0;
	s23 =	ssub.s32 s31, s30;
	s31 =	sadd.s32 $0xFFFFFF80, s29;
	s29 =	ssub.s32 $0x100, s29  }
0x1d: {  	v62 =	vld [tilespmem:s22+$0x20];
	[tilespmem:s24+$0x810 ss:$0x81] =	vst.msk $0xffff, v5;
	s30 =	sand.u32 $0x78, s12;
	p1 =	sgt.s32 s31, $0x7F;
	s31 =	sadd.s32 $0xFFFFA898, s23  }
0x1e: {  	v63 =	vld [tilespmem:s22+$0xFFFFFFC0];
	[tilespmem:s24+$0x1020 ss:$0x81] =	vst.msk $0xffff, v58;
	p2 =	sgt.s32 s31, $0x7F;
	s29 =	simm.s32 @p1 $0x0;
	s31 =	smul.u32 $0xAFD00, s13  }
0x1f: {  	[tilespmem:s24+$0x1830 ss:$0x81] =	vst.msk $0xffff, v59;
	s23 =	ssub.s32 $0x57E8, s23;
	s22 =	sor.u32 s30, s28;
	s25 =	smul.u32 s25, s29  }
0x20: {  	[tilespmem:s24+$0x2040 ss:$0x81] =	vst.msk $0xffff, v60;
	s26 =	ssub.s32 s26, s27;
	s22 =	sshrl.u32 s22, $0x3;
	s23 =	simm.s32 @p2 $0x0  }
0x21: {  	[tilespmem:s24+$0x2850 ss:$0x81] =	vst.msk $0xffff, v61;
	s29 =	sand.u32 $0x7, s12;
	s28 =	sadd.s32 s5, s31;
	s23 =	smul.u32 s23, s25  }
0x22: {  	[tilespmem:s24+$0x3060 ss:$0x81] =	vst.msk $0xffff, v62;
	s26 =	sshll.u32 s26, $0x5;
	s30 =	sshll.u32 s29, $0x12;
	s22 =	sadd.s32 s22, s28  }
0x23: {  	[tilespmem:s24+$0x0 ss:$0x81] =	vst.msk $0xffff, v63;
	s31 =	sor.u32 $0x400, s30;
	s22 =	sadd.s32 s26, s22;
	s23 =	sand.u32 $0x3FFFFFFF, s23  }
0x24: {  	[hbm4b:s22+s31] =	stream.strided.scatter [tilespmem:s21], [sflag:$0x2], s23, s10, s31, $0x20;
	[tilespmem:$0x10100] =	vst v63  }
.LBB1_5:
0x25: {  	p1 =	slt.u32 s17, $0x2  }
0x26: {  	s22 =	smov.u32 s20;
	p2 =	sgt.s32 @!p1 s20, $0x1  }
0x27: {  	s21 =	sshra.s32 @!p1 s20, $0x1F;
	p3 =	sgt.s32 @!p1 s19, $0x80;
	p2 =	por !p2, p1  }
0x28: {  	s20 =	sand.u32 @!p1 s21, s20;
	p3 =	por !p3, p1;
	s21 =	smov.u32 s19  }
0x29: {  	s22 =	simm.s32 @p2 $0x1;
	s20 =	sxor.u32 @!p1 $0xFFFFFFFF, s20;
	s21 =	simm.s32 @p3 $0x80  }
0x2a: {  	p3 =	sgt.s32 @!p1 s18, $0x5768;
	s20 =	sadd.s32 @!p1 s20, s22;
	s22 =	sshra.s32 @!p1 s19, $0x1F  }
0x2b: {  	p3 =	por !p3, p1;
	p2 =	sgt.s32 @!p1 s20, $0x0;
	s20 =	ssub.s32 @!p1 $0x1, s20  }
0x2c: {  	s19 =	sand.u32 @!p1 s22, s19;
	s22 =	smov.u32 s18;
	p2 =	por !p2, p1  }
0x2d: {  	s19 =	ssub.s32 @!p1 s21, s19;
	s21 =	sshra.s32 @!p1 s18, $0x1F;
	s22 =	simm.s32 @p3 $0x5768  }
0x2e: {  	s18 =	sand.u32 @!p1 s21, s18;
	s21 =	sadd.s32 @!p1 $0xFFFFFF80, s19;
	s20 =	simm.s32 @!p2 $0x0  }
0x2f: {  	s19 =	ssub.s32 @!p1 $0x100, s19;
	s18 =	ssub.s32 @!p1 s22, s18;
	p2 =	sgt.s32 @!p1 s21, $0x7F  }
0x30: {  	s22 =	smov.u32 s15;
	s21 =	sadd.s32 @!p1 $0xFFFFA898, s18;
	p2 =	por !p2, p1  }
0x31: {  	s18 =	ssub.s32 @!p1 $0x57E8, s18;
	p3 =	sgt.s32 @!p1 s21, $0x7F;
	s19 =	simm.s32 @!p2 $0x0  }
0x32: {  	s21 =	sadd.s32 $0x400, s14;
	p2 =	por !p3, p1;
	s19 =	smul.u32 @!p1 s20, s19  }
0x33: {  	s20 =	sadd.s32 $0x100, s15;
	s18 =	simm.s32 @!p2 $0x0;
	p2 =	sgt.s32 s21, $0x57E3  }
0x34: {  	s23 =	smov.u32 s16;
	s22 =	smov.u32 @p2 s20  }
0x35: {  	s18 =	smul.u32 @!p1 s18, s19;
	s19 =	sadd.s32 $0x2, s16;
	p3 =	sgt.s32 s22, $0xFF  }
0x36: {  	p0 =	por !p0, !p0;
	s24 =	simm.s32 @!p1 $0x2;
	s23 =	smov.u32 @p3 s19  }
0x37: {  	s21 =	smov.u32 @p2 s8;
	s20 =	smov.u32 s13;
	p2 =	sgt.s32 s23, $0x1  }
0x38: {  	s13 =	smov.u32 s16;
	s23 =	smov.u32 @p2 s1;
	p2 =	sne.s32 s17, s9  }
.Ltmp1:
0x39: {  	s18 =	sand.u32 @!p1 $0x3FFFFFFF, s18;
	s22 =	smov.u32 @p3 s3;
	(pc) =	sbr.rel @!p2 .LBB1_6-.Ltmp1, $4  }
0x3a: {  	s19 =	smov.u32 s12;
	s12 =	smov.u32 s15;
	_ =	swait.ge @!p1 [sflag:s24], s18  }
0x3b: {  	s25 =	ssub.s32 @!p1 $0x0, s18;
	s18 =	smov.u32 s11;
	s11 =	smov.u32 s14  }
0x3c: {  	s14 =	smov.u32 s21;
	s15 =	smov.u32 s22;
	[sflag:s24] =	ssyncset.done @!p1 $0x0  }
0x3d: {  	s17 =	sadd.s32 $0x1, s17;
	[sflag:s24] =	ssyncadd.s32 @!p1 s25;
	s16 =	smov.u32 s23  }
.LBB1_1:
0x3e: {  	p1 =	sge.u32 s17, s7  }
0x3f: {  	s21 =	sshrl.u32 @!p1 s15, $0x3  }
0x40: {  	s22 =	sshll.u32 @!p1 s14, $0x3;
	s23 =	sshll.u32 @!p1 s15, $0x7;
	s21 =	smul.u32 @!p1 $0x2C000, s21  }
0x41: {  	s24 =	sand.u32 @!p1 $0x7F, s14;
	s22 =	sand.u32 @!p1 $0xFFFFFC00, s22;
	s23 =	sand.u32 @!p1 $0x380, s23  }
0x42: {  	s21 =	sadd.s32 @!p1 s21, s22;
	s22 =	sor.u32 @!p1 s24, s23  }
0x43: {  	s22 =	sor.u32 @!p1 s21, s22  }
0x44: {  	s23 =	smulhi.u32 @!p1 $0xBA2E8BA3, s22  }
0x45: {  	s21 =	smulhi.u32 @!p1 $0xBA2E8BA3, s21  }
0x46: {  	s23 =	sshrl.u32 @!p1 s23, $0xE  }
0x47: {  	s31 =	sadd.s32 $0xFFFFFFFF, s17;
	s21 =	sshrl.u32 @!p1 s21, $0xE;
	s23 =	smul.u32 @!p1 $0x5800, s23  }
0x48: {  	s25 =	smul.u32 @!p1 $0xB0000, s16;
	s24 =	sxor.u32 @!p1 $0xFFFFFFFF, s17;
	s21 =	sand.u32 @!p1 $0xFF, s21  }
0x49: {  	s24 =	sshll.u32 @!p1 s24, $0xE;
	s21 =	smul.u32 @!p1 $0xB00, s21;
	s22 =	ssub.s32 @!p1 s22, s23  }
0x4a: {  	s23 =	sand.u32 @!p1 $0x4000, s24;
	s24 =	sadd.s32 @!p1 s4, s25;
	s25 =	sand.u32 @!p1 $0x7, s22  }
0x4b: {  	s22 =	sshrl.u32 @!p1 s22, $0x3;
	s21 =	sadd.s32 @!p1 s21, s24;
	s24 =	sshll.u32 @!p1 s25, $0x12  }
0x4c: {  	s21 =	sadd.s32 @!p1 s22, s21;
	s22 =	sor.u32 @!p1 $0x400, s24;
	s24 =	simm.s32 @!p1 $0x2C000  }
0x4d: {  	[tilespmem:s23], [sflag:$0x1] =	stream.strided.gather @!p1 [hbm4b:s21+s22], $0x4000, s24, s22, $0x38;
	[tilespmem:$0x10100] =	vst v63  }
0x4e: {  	p1 =	sge.u32 s31, s7  }
.Ltmp2:
0x4f: {  	_ = 	snop;
	(pc) =	sbr.rel @p1 .LBB1_5-.Ltmp2, $1  }
0x50: {  	_ =	sdelay $0x3  }
0x51: {  	s21 =	simm.s32 $0x1  }
0x52: {  	_ =	swait.ge [sflag:s6], $0x4000;
	s21 =	simm.s32 @!p0 $0x0  }
0x53: {  	[sflag:s6] =	ssyncset.done $0x0;
	s22 =	sshll.u32 s21, $0xE  }
0x54: {  	[sflag:s6] =	ssyncadd.s32 $0xFFFFC000;
	s22 =	sor.u32 $0x40, s22  }
0x55: {  	s21 =	smul.u32 $0x10200, s21;
	v0 =	vld [tilespmem:s22+$0x30]  }
0x56: {  	v1 =	vld [tilespmem:s22+$0xFFFFFFD0]  }
0x57: {  	s21 =	sshrl.u32 s21, $0x2;
	v5 =	vld [tilespmem:s22+$0xFFFFFFE0]  }
0x58: {  	v6 =	vld [tilespmem:s22+$0xFFFFFFF0];
	s24 =	sor.u32 $0x8000, s21  }
0x59: {  	s31 =	sand.u32 $0x1, s17;
	v4 =	vld [tilespmem:s22+$0x0];
	s23 =	sadd.s32 $0x0, s24  }
0x5a: {  	v3 =	vld [tilespmem:s22+$0x10];
	s21 =	smul.u32 $0x10200, s31;
	[tilespmem:s23+$0x3870 ss:$0x81] =	vst.msk $0xffff, v0  }
0x5b: {  	v2 =	vld [tilespmem:s22+$0x20];
	[tilespmem:s23+$0x810 ss:$0x81] =	vst.msk $0xffff, v1  }
0x5c: {  	s21 =	sshrl.u32 s21, $0x2;
	v1 =	vld [tilespmem:s22+$0xFFFFFFC0];
	[tilespmem:s23+$0x1020 ss:$0x81] =	vst.msk $0xffff, v5;
	s22 =	sadd.s32 $0x80, s22  }
0x5d: {  	s25 =	simm.s32 $0x4;
	s26 =	simm.s32 $0x8;
	s21 =	sor.u32 $0x8000, s21;
	[tilespmem:s23+$0x1830 ss:$0x81] =	vst.msk $0xffff, v6;
	v0 =	vld [tilespmem:s22+$0x30]  }
.LBB1_3:
0x5e: {  	p1 =	sne.s32 s26, $0x1FC;
	v5 =	vld [tilespmem:s22+$0xFFFFFFD0];
	[tilespmem:s23+$0x2040 ss:$0x81] =	vst.msk $0xffff, v4  }
0x5f: {  	v6 =	vld [tilespmem:s22+$0xFFFFFFE0];
	[tilespmem:s23+$0x2850 ss:$0x81] =	vst.msk $0xffff, v3  }
0x60: {  	s27 =	sshra.s32 s25, $0x2;
	s25 =	smov.u32 s26;
	v7 =	vld [tilespmem:s22+$0xFFFFFFF0];
	[tilespmem:s23+$0x3060 ss:$0x81] =	vst.msk $0xffff, v2  }
.Ltmp3:
0x61: {  	v4 =	vld [tilespmem:s22+$0x0];
	[tilespmem:s23+$0x0 ss:$0x81] =	vst.msk $0xffff, v1;
	s23 =	sadd.s32 s27, s24;
	(pc) =	sbr.rel @p1 .LBB1_3-.Ltmp3, $4  }
0x62: {  	v3 =	vld [tilespmem:s22+$0x10];
	[tilespmem:s23+$0x3870 ss:$0x81] =	vst.msk $0xffff, v0  }
0x63: {  	[tilespmem:s23+$0x810 ss:$0x81] =	vst.msk $0xffff, v5;
	v2 =	vld [tilespmem:s22+$0x20]  }
0x64: {  	v1 =	vld [tilespmem:s22+$0xFFFFFFC0];
	[tilespmem:s23+$0x1020 ss:$0x81] =	vst.msk $0xffff, v6;
	s22 =	sadd.s32 $0x80, s22  }
0x65: {  	s26 =	sadd.s32 $0x4, s26;
	v0 =	vld [tilespmem:s22+$0x30];
	[tilespmem:s23+$0x1830 ss:$0x81] =	vst.msk $0xffff, v7  }
.Ltmp4:
0x66: {  	_ = 	snop;
	(pc) =	sbr.rel .LBB1_4-.Ltmp4, $1  }
0x67: {  	_ =	sdelay $0x3  }
.LBB1_6:
0x68: {  	_ =	sfence.sel $0x180000  }
0x69: {  	s1 =	simm.s32 $0x1;
	[bflag:$0x0] =	sbarrier.arrive $0xFFFF  }
0x6a: {  	s31 =	simm.s32 $0x2;
	[sflag:s1] =	ssyncpa.u1 $0x1  }
0x6b: {  	[sflag:s31] =	ssyncpa.u1 $0x1  }
0x6c: {  	p0 =	sne.s32 s0, $0x0;
	_ =	strace $0x90000047  }
0x6d: {  	s0 =	sadd.s32 @!p0 $0x100000, s2;
	[bflag:$0x2] =	sbarrier.arrive $0xFFFF  }
0x6e: {  	[sflag:s0] =	ssyncadd.tile.s32 @!p0 $0x1;
	_ =	shalt  }
.Lfunc_end1:
_tile_overlayer_lowered:
.L_overlay_start_2:
0x6f: {  	(tag) =	ssettag $0x2  }
0x70: {  	s0 =	rddreg [dreg:$0x0];
	s2 =	stileid.u32  }
0x71: {  	s1 =	rddreg [dreg:$0x1];
	p0 =	sne.s32 s2, $0x0  }
0x72: {  	s3 =	rddreg [dreg:$0x2];
	[bflag:$0x3] =	sbarrier.arrive $0xFFFF;
	s2 =	simm.s32 @!p0 $0x1C01  }
0x73: {  	[timem:s3], [sflag:s2] =	dma.local @!p0 [hbm:s0], s1  }
0x74: {  	s0 =	simm.s32 @!p0 $0x1  }
0x75: {  	_ =	swait.ge @!p0 [sflag:s0], s1  }
0x76: {  	s1 =	ssub.s32 @!p0 $0x0, s1;
	[sflag:s0] =	ssyncset.done @!p0 $0x0  }
0x77: {  	[sflag:s0] =	ssyncadd.s32 @!p0 s1  }
0x78: {  	[bflag:$0x3] =	sbarrier.arrive $0xFFFF  }
0x79: {  	_ =	shalt  }

</sc_bundles>
